<compile_context>
chip_gen: v7x
topology: tpu7x:2x2x1
jax: 0.10.2.dev20260603
libtpu: 0.0.44.dev20260713+nightly
codegen_flags: <defaults>
</compile_context>

<pallas_src>
import functools

import jax
import jax.numpy as jnp
from jax import lax
from jax.experimental import pallas as pl
from jax.experimental.pallas import tpu as pltpu
from jax.experimental.pallas import tpu_sc as plsc

_N_BLK = 2000
_K_PAD = 80
_NW = 32
_AUG = 128


def _sc_gather(table, idx_flat, chunk):
  b_total = idx_flat.shape[0]
  d = table.shape[1]
  bpw = b_total // _NW
  n_chunks = bpw // chunk
  mesh = plsc.VectorSubcoreMesh(core_axis_name="c", subcore_axis_name="s")

  @functools.partial(
      pl.kernel, mesh=mesh,
      out_type=jax.ShapeDtypeStruct((b_total, d), jnp.float32),
      scratch_types=[
          pltpu.VMEM((chunk,), jnp.int32),
          pltpu.VMEM((chunk, d), jnp.float32),
          pltpu.SemaphoreType.DMA,
      ],
  )
  def gk(table_hbm, idx_hbm, out_hbm, idx_v, rows_v, sem):
    wid = lax.axis_index("s") * 2 + lax.axis_index("c")
    lo = wid * bpw

    def body(j, carry):
      base = lo + j * chunk
      pltpu.sync_copy(idx_hbm.at[pl.ds(base, chunk)], idx_v)
      pltpu.async_copy(table_hbm.at[idx_v], rows_v, sem).wait()
      pltpu.sync_copy(rows_v, out_hbm.at[pl.ds(base, chunk)])
      return carry

    lax.fori_loop(0, n_chunks, body, 0)

  return gk(table, idx_flat)


def _bn_stats_call(feat, gamma2, beta2):
  n, d = feat.shape

  def body(feat_ref, gam_ref, bet_ref, ab_ref):
    ff = feat_ref[...]
    mean = jnp.mean(ff, axis=0, keepdims=True)
    var = jnp.mean(ff * ff, axis=0, keepdims=True) - mean * mean
    a = gam_ref[...] * lax.rsqrt(var + 1e-5)
    b = bet_ref[...] - mean * a
    ab_ref[...] = jnp.zeros((8, d), jnp.float32)
    ab_ref[0:1, :] = a
    ab_ref[1:2, :] = b

  return pl.pallas_call(
      body,
      out_shape=jax.ShapeDtypeStruct((8, d), jnp.float32),
  )(feat, gamma2, beta2)


def _gru_call(pf, feat, pos_pad, counts_f, ab, wbig, bbig,
              wself_t, wneigh_t, wgat_t, a1, a2, a3p, a4p, kmax1):
  n, d = feat.shape
  nb_blocks = n // _N_BLK

  def body(kmax_ref, pf_ref, feat_ref, posp_ref, cnt_ref, ab_ref, wbig_ref,
           bbig_ref, wself_ref, wneigh_ref, wgat_ref,
           a1_ref, a2_ref, a3_ref, a4_ref, zaug_ref, h_ref):
    k = pl.program_id(1)
    kmax = kmax_ref[0]

    @pl.when(k == 0)
    def _():
      h_ref[...] = jnp.zeros_like(h_ref)

    @pl.when(k < kmax)
    def _():
      a = ab_ref[0:1, :]
      b = ab_ref[1:2, :]
      m = cnt_ref[...] > k.astype(jnp.float32)
      x = jnp.where(m, pf_ref[0] * a + b, 0.0)
      h = h_ref[...]
      xh = jnp.concatenate([x, h], axis=1)
      g = jnp.dot(xh, wbig_ref[...], preferred_element_type=jnp.float32) + bbig_ref[...]
      rz = jax.nn.sigmoid(g[:, :2 * d])
      r = rz[:, :d]
      zg = rz[:, d:]
      nn_ = jnp.tanh(g[:, 2 * d:3 * d] + r * g[:, 3 * d:])
      h_new = (1.0 - zg) * nn_ + zg * h
      h_ref[...] = jnp.where(m, h_new, h)

    @pl.when(k == _K_PAD - 1)
    def _():
      a = ab_ref[0:1, :]
      b = ab_ref[1:2, :]
      xn = feat_ref[...] * a + b
      h1 = (jnp.dot(xn, wself_ref[...], preferred_element_type=jnp.float32)
            + jnp.dot(h_ref[...], wneigh_ref[...], preferred_element_type=jnp.float32))
      z = jnp.dot(h1, wgat_ref[...], preferred_element_type=jnp.float32)
      s1p = (jnp.sum(z * a1_ref[...], axis=1, keepdims=True)
             + jnp.sum(posp_ref[...] * a3_ref[...], axis=1, keepdims=True))
      s2p = (jnp.sum(z * a2_ref[...], axis=1, keepdims=True)
             + jnp.sum(posp_ref[...] * a4_ref[...], axis=1, keepdims=True))
      col = lax.broadcasted_iota(jnp.int32, (_N_BLK, _AUG), 1)
      extra = jnp.where(col == 0, s1p, 0.0) + jnp.where(col == 1, s2p, 0.0)
      zaug_ref[:, :d] = z
      zaug_ref[:, d:] = extra

  cfix = lambda i, k, km: (0, 0)
  spec = pltpu.PrefetchScalarGridSpec(
      num_scalar_prefetch=1,
      grid=(nb_blocks, _K_PAD),
      in_specs=[
          pl.BlockSpec((1, _N_BLK, d),
                       lambda i, k, km: (jnp.minimum(k, km[0] - 1), i, 0)),
          pl.BlockSpec((_N_BLK, d), lambda i, k, km: (i, 0)),
          pl.BlockSpec((_N_BLK, d), lambda i, k, km: (i, 0)),
          pl.BlockSpec((_N_BLK, 1), lambda i, k, km: (i, 0)),
          pl.BlockSpec((8, d), cfix),
          pl.BlockSpec((2 * d, 4 * d), cfix),
          pl.BlockSpec((1, 4 * d), cfix),
          pl.BlockSpec((d, d), cfix),
          pl.BlockSpec((d, d), cfix),
          pl.BlockSpec((d, d), cfix),
          pl.BlockSpec((1, d), cfix),
          pl.BlockSpec((1, d), cfix),
          pl.BlockSpec((1, d), cfix),
          pl.BlockSpec((1, d), cfix),
      ],
      out_specs=pl.BlockSpec((_N_BLK, d + _AUG), lambda i, k, km: (i, 0)),
      scratch_shapes=[pltpu.VMEM((_N_BLK, d), jnp.float32)],
  )
  return pl.pallas_call(
      body,
      grid_spec=spec,
      out_shape=jax.ShapeDtypeStruct((n, d + _AUG), jnp.float32),
  )(kmax1, pf, feat, pos_pad, counts_f, ab, wbig, bbig,
    wself_t, wneigh_t, wgat_t, a1, a2, a3p, a4p)


def _gat_call(pz, zaug, counts_f, kmax1):
  n, d2 = zaug.shape
  d = d2 - _AUG
  nb_blocks = n // _N_BLK

  def body(kmax_ref, pz_ref, zaug_ref, cnt_ref, out_ref, m_ref, l_ref, acc_ref):
    k = pl.program_id(1)
    kmax = kmax_ref[0]

    @pl.when(k == 0)
    def _():
      m_ref[...] = jnp.full_like(m_ref, -1e30)
      l_ref[...] = jnp.zeros_like(l_ref)
      acc_ref[...] = jnp.zeros_like(acc_ref)

    @pl.when(k < kmax)
    def _():
      slab = pz_ref[0]
      e = slab[:, d:d + 1] + zaug_ref[:, d + 1:d + 2]
      e = jnp.where(e >= 0.0, e, 0.01 * e)
      mask = cnt_ref[...] > k.astype(jnp.float32)
      e = jnp.where(mask, e, -1e30)
      m_old = m_ref[...]
      m_new = jnp.maximum(m_old, e)
      scale = jnp.exp(m_old - m_new)
      p = jnp.where(mask, jnp.exp(e - m_new), 0.0)
      l_ref[...] = l_ref[...] * scale + p
      acc_ref[...] = acc_ref[...] * scale + p * slab[:, :d]
      m_ref[...] = m_new

    @pl.when(k == _K_PAD - 1)
    def _():
      out_ref[...] = acc_ref[...] / (l_ref[...] + 1e-12)

  spec = pltpu.PrefetchScalarGridSpec(
      num_scalar_prefetch=1,
      grid=(nb_blocks, _K_PAD),
      in_specs=[
          pl.BlockSpec((1, _N_BLK, d2),
                       lambda i, k, km: (jnp.minimum(k, km[0] - 1), i, 0)),
          pl.BlockSpec((_N_BLK, d2), lambda i, k, km: (i, 0)),
          pl.BlockSpec((_N_BLK, 1), lambda i, k, km: (i, 0)),
      ],
      out_specs=pl.BlockSpec((_N_BLK, d), lambda i, k, km: (i, 0)),
      scratch_shapes=[
          pltpu.VMEM((_N_BLK, 1), jnp.float32),
          pltpu.VMEM((_N_BLK, 1), jnp.float32),
          pltpu.VMEM((_N_BLK, d), jnp.float32),
      ],
  )
  return pl.pallas_call(
      body,
      grid_spec=spec,
      out_shape=jax.ShapeDtypeStruct((n, d), jnp.float32),
  )(kmax1, pz, zaug, counts_f)


def kernel(feat, edge_src, edge_dst, pos, bn_gamma, bn_beta, W_ih, W_hh,
           b_ih, b_hh, W_self, W_neigh, W_gat, W_attn):
  n, d = feat.shape
  e_num = edge_src.shape[0]
  pd = pos.shape[1]

  node_ids = jnp.arange(n, dtype=edge_dst.dtype)
  offsets = jnp.searchsorted(edge_dst, node_ids, side="left").astype(jnp.int32)
  ends = jnp.searchsorted(edge_dst, node_ids, side="right").astype(jnp.int32)
  counts = ends - offsets
  kmax = jnp.minimum(jnp.max(counts), _K_PAD).astype(jnp.int32)
  slot_edge = jnp.clip(
      offsets[None, :] + jnp.arange(_K_PAD, dtype=jnp.int32)[:, None],
      0, e_num - 1)
  srcpad = edge_src[slot_edge].reshape(-1).astype(jnp.int32)
  kmax1 = kmax.reshape(1)
  counts_f = counts.astype(jnp.float32).reshape(n, 1)

  pos_pad = jnp.zeros((n, d), jnp.float32).at[:, :pd].set(pos)
  gamma2 = bn_gamma.reshape(1, d)
  beta2 = bn_beta.reshape(1, d)
  wih_t = W_ih.T
  whh_t = W_hh.T
  zblk = jnp.zeros((d, d), jnp.float32)
  wbig = jnp.concatenate([
      jnp.concatenate([wih_t[:, :2 * d], wih_t[:, 2 * d:], zblk], axis=1),
      jnp.concatenate([whh_t[:, :2 * d], zblk, whh_t[:, 2 * d:]], axis=1),
  ], axis=0)
  bbig = jnp.concatenate([
      (b_ih + b_hh)[:2 * d], b_ih[2 * d:], b_hh[2 * d:]]).reshape(1, 4 * d)
  wself_t = W_self.T
  wneigh_t = W_neigh.T
  wgat_t = W_gat.T
  wa = W_attn[0]
  a1 = wa[:d].reshape(1, d)
  a2 = wa[d:2 * d].reshape(1, d)
  a3p = jnp.zeros((1, d), jnp.float32).at[0, :pd].set(wa[2 * d:2 * d + pd])
  a4p = jnp.zeros((1, d), jnp.float32).at[0, :pd].set(wa[2 * d + pd:])

  ab = _bn_stats_call(feat, gamma2, beta2)
  pf = _sc_gather(feat, srcpad, 200).reshape(_K_PAD, n, d)
  zaug = _gru_call(pf, feat, pos_pad, counts_f, ab, wbig, bbig,
                   wself_t, wneigh_t, wgat_t, a1, a2, a3p, a4p, kmax1)
  pz = _sc_gather(zaug, srcpad, 200).reshape(_K_PAD, n, d + _AUG)
  out = _gat_call(pz, zaug, counts_f, kmax1)
  return out

# --- scband reference (transcript-rebuilt; emitter-appended) ---
"""Pipeline reference for scband-gru-gnn-vector-21053929685024 (READ-ONLY COPY).

The authoritative reference and input builder live on the scoring server;
editing this copy changes nothing except your own understanding.
"""

import jax, jax.numpy as jnp
import numpy as np

N = 10000
E = 320000
D = 128
PD = 8


def setup_inputs(seed: int = 0) -> dict:
    key = jax.random.key(seed)
    ks = jax.random.split(key, 14)
    feat = jax.random.normal(ks[0], (N, D), dtype=jnp.float32)
    edge_src = jax.random.randint(ks[1], (E,), 0, N, dtype=jnp.int32)
    edge_dst = jnp.sort(jax.random.randint(ks[2], (E,), 0, N, dtype=jnp.int32))
    pos = jax.random.normal(ks[3], (N, PD), dtype=jnp.float32)
    bn_gamma = jnp.ones((D,), dtype=jnp.float32)
    bn_beta = jnp.zeros((D,), dtype=jnp.float32)
    W_ih = 0.08 * jax.random.normal(ks[4], (3 * D, D), dtype=jnp.float32)
    W_hh = 0.08 * jax.random.normal(ks[5], (3 * D, D), dtype=jnp.float32)
    b_ih = jnp.zeros((3 * D,), dtype=jnp.float32)
    b_hh = jnp.zeros((3 * D,), dtype=jnp.float32)
    W_self = 0.08 * jax.random.normal(ks[6], (D, D), dtype=jnp.float32)
    W_neigh = 0.08 * jax.random.normal(ks[7], (D, D), dtype=jnp.float32)
    W_gat = 0.08 * jax.random.normal(ks[8], (D, D), dtype=jnp.float32)
    W_attn = 0.08 * jax.random.normal(ks[9], (1, 2 * D + 2 * PD), dtype=jnp.float32)
    return {"feat": feat, "edge_src": edge_src, "edge_dst": edge_dst, "pos": pos,
            "bn_gamma": bn_gamma, "bn_beta": bn_beta,
            "W_ih": W_ih, "W_hh": W_hh, "b_ih": b_ih, "b_hh": b_hh,
            "W_self": W_self, "W_neigh": W_neigh, "W_gat": W_gat, "W_attn": W_attn}


def reference(feat, edge_src, edge_dst, pos, bn_gamma, bn_beta,
              W_ih, W_hh, b_ih, b_hh, W_self, W_neigh, W_gat, W_attn):
    n, d = feat.shape
    e_num = edge_dst.shape[0]
    # ---- ONAN layer (BatchNorm -> copy_u mailbox -> GRU reducer -> fc_self + fc_neigh) ----
    mean = jnp.mean(feat, axis=0)
    var = jnp.var(feat, axis=0)
    xn = (feat - mean) / jnp.sqrt(var + 1e-5) * bn_gamma + bn_beta
    counts = jnp.bincount(edge_dst, length=n)
    offsets = jnp.cumsum(counts) - counts

    def gru_step(k, h):
        idx = jnp.clip(offsets + k, 0, e_num - 1)
        x = jnp.where((k < counts)[:, None], xn[edge_src[idx]], 0.0)
        m = (k < counts).astype(feat.dtype)
        gi = x @ W_ih.T + b_ih
        gh = h @ W_hh.T + b_hh
        i_r, i_z, i_n = jnp.split(gi, 3, axis=1)
        h_r, h_z, h_n = jnp.split(gh, 3, axis=1)
        r = jax.nn.sigmoid(i_r + h_r)
        z = jax.nn.sigmoid(i_z + h_z)
        nn_ = jnp.tanh(i_n + r * h_n)
        h_new = (1.0 - z) * nn_ + z * h
        h_out = m[:, None] * h_new + (1.0 - m[:, None]) * h
        return h_out

    h0 = jnp.zeros((n, d), dtype=feat.dtype)
    neigh = jax.lax.fori_loop(0, counts.max(), gru_step, h0)
    h1 = xn @ W_self.T + neigh @ W_neigh.T
    # ---- POS_GAT layer ----
    z = h1 @ W_gat.T
    z2 = jnp.concatenate([z[edge_src], z[edge_dst], pos[edge_src], pos[edge_dst]], axis=1)
    e = z2 @ W_attn.T
    e = jnp.where(e >= 0, e, 0.01 * e)[:, 0]
    emax = jax.ops.segment_max(e, edge_dst, num_segments=n)
    emax = jnp.where(jnp.isfinite(emax), emax, 0.0)
    ex = jnp.exp(e - emax[edge_dst])
    esum = jax.ops.segment_sum(ex, edge_dst, num_segments=n)
    alpha = ex / (esum[edge_dst] + 1e-12)
    out = jax.ops.segment_sum(alpha[:, None] * z[edge_src], edge_dst, num_segments=n)
    return out

if __name__ == "__main__":
    import jax
    _d = setup_inputs()
    print(jax.jit(kernel)(*tuple(_d.values())))

</pallas_src>

<mosaic_0001>
#map = affine_map<(d0, d1) -> (0, 0)>
#map1 = affine_map<(d0, d1) -> (0)>
module attributes {stable_mosaic.version = 14 : i64} {
  func.func @gk(%arg0: i32, %arg1: i32, %arg2: memref<10000x128xf32, #tpu.memory_space<hbm>>, %arg3: memref<800000xi32, #tpu.memory_space<hbm>>, %arg4: memref<800000x128xf32, #tpu.memory_space<hbm>>, %arg5: memref<200xi32, #tpu.memory_space<vmem>>, %arg6: memref<200x128xf32, #tpu.memory_space<vmem>>, %arg7: memref<!tpu.dma_semaphore, #tpu.memory_space<semaphore_mem>>) attributes {dimension_semantics = [#tpu.dimension_semantics<core_parallel>, #tpu.dimension_semantics<subcore_parallel>], iteration_bounds = array<i64: 2, 16>, scalar_prefetch = 0 : i64, scratch_operands = 3 : i64, tpu.core_type = #tpu.core_type<sc_vector_subcore>, window_params = [{transform_indices = #map}, {transform_indices = #map1}, {transform_indices = #map}]} {
    %mul3A = arith.constant 2 : i32
    %mul3A_0 = arith.muli %arg1, %mul3A : i32
    %add3A = arith.addi %mul3A_0, %arg0 : i32
    %mul3A_1 = arith.constant 25000 : i32
    %mul3A_2 = arith.muli %add3A, %mul3A_1 : i32
    %scan3A = arith.constant 0 : i32
    %scan3A_3 = arith.constant 0 : i32
    %scan3A_4 = arith.constant 125 : i32
    %scan3A_5 = arith.addi %scan3A_3, %scan3A_4 : i32
    %scan3A_6 = arith.constant 1 : i32
    scf.for %scan3A_8 = %scan3A_3 to %scan3A_5 step %scan3A_6  : i32 {
      %mul3A_9 = arith.constant 200 : i32
      %mul3A_10 = arith.muli %scan3A_8, %mul3A_9 : i32
      %add3A_11 = arith.addi %mul3A_2, %mul3A_10 : i32
      "tpu.region"() ({
        %run_scoped3A = tpu.sem_alloc : memref<!tpu.dma_semaphore, #tpu.memory_space<semaphore_mem>>
        %dma_start3A_16 = tpu.memref_slice %arg3[%add3A_11] : memref<800000xi32, #tpu.memory_space<hbm>> -> memref<200xi32, #tpu.memory_space<hbm>>
        %dma_start3A_17 = tpu.memref_slice %arg3[%add3A_11] : memref<800000xi32, #tpu.memory_space<hbm>> -> memref<200xi32, #tpu.memory_space<hbm>>
        tpu.enqueue_dma source(%dma_start3A_17 : memref<200xi32, #tpu.memory_space<hbm>>) target(%arg5 : memref<200xi32, #tpu.memory_space<vmem>>) target_semaphore(%run_scoped3A : memref<!tpu.dma_semaphore, #tpu.memory_space<semaphore_mem>>)
        %dma_wait3A_18 = tpu.memref_slice %arg3[%add3A_11] : memref<800000xi32, #tpu.memory_space<hbm>> -> memref<200xi32, #tpu.memory_space<hbm>>
        %dma_wait3A_19 = tpu.memref_slice %arg3[%add3A_11] : memref<800000xi32, #tpu.memory_space<hbm>> -> memref<200xi32, #tpu.memory_space<hbm>>
        tpu.wait_dma2 semaphore(%run_scoped3A : memref<!tpu.dma_semaphore, #tpu.memory_space<semaphore_mem>>) src(%dma_wait3A_19 : memref<200xi32, #tpu.memory_space<hbm>>) dst(%arg5 : memref<200xi32, #tpu.memory_space<vmem>>)
        tpu.yield
      }) : () -> ()
      %dma_start3A = arith.constant 0 : i32
      %dma_start3A_12 = arith.constant 0 : i32
      %dma_start3A_13 = tpu.memref_slice %arg2[%dma_start3A, %dma_start3A_12] : memref<10000x128xf32, #tpu.memory_space<hbm>> -> memref<10000x128xf32, #tpu.memory_space<hbm>>
      tpu.enqueue_indirect_dma source(%dma_start3A_13 : memref<10000x128xf32, #tpu.memory_space<hbm>>) target(%arg6 : memref<200x128xf32, #tpu.memory_space<vmem>>) offsets(%arg5 : memref<200xi32, #tpu.memory_space<vmem>>) semaphore(%arg7 : memref<!tpu.dma_semaphore, #tpu.memory_space<semaphore_mem>>)
      %dma_wait3A = arith.constant 0 : i32
      %dma_wait3A_14 = arith.constant 0 : i32
      %dma_wait3A_15 = tpu.memref_slice %arg2[%dma_wait3A, %dma_wait3A_14] : memref<10000x128xf32, #tpu.memory_space<hbm>> -> memref<10000x128xf32, #tpu.memory_space<hbm>>
      tpu.wait_indirect_dma semaphore(%arg7 : memref<!tpu.dma_semaphore, #tpu.memory_space<semaphore_mem>>) src(%dma_wait3A_15 : memref<10000x128xf32, #tpu.memory_space<hbm>>) dst(%arg6 : memref<200x128xf32, #tpu.memory_space<vmem>>)
      "tpu.region"() ({
        %run_scoped3A = tpu.sem_alloc : memref<!tpu.dma_semaphore, #tpu.memory_space<semaphore_mem>>
        %dma_start3A_16 = arith.constant 0 : i32
        %dma_start3A_17 = tpu.memref_slice %arg4[%add3A_11, %dma_start3A_16] : memref<800000x128xf32, #tpu.memory_space<hbm>> -> memref<200x128xf32, #tpu.memory_space<hbm>>
        %dma_start3A_18 = arith.constant 0 : i32
        %dma_start3A_19 = tpu.memref_slice %arg4[%add3A_11, %dma_start3A_18] : memref<800000x128xf32, #tpu.memory_space<hbm>> -> memref<200x128xf32, #tpu.memory_space<hbm>>
        tpu.enqueue_dma source(%arg6 : memref<200x128xf32, #tpu.memory_space<vmem>>) target(%dma_start3A_19 : memref<200x128xf32, #tpu.memory_space<hbm>>) target_semaphore(%run_scoped3A : memref<!tpu.dma_semaphore, #tpu.memory_space<semaphore_mem>>)
        %dma_wait3A_20 = arith.constant 0 : i32
        %dma_wait3A_21 = tpu.memref_slice %arg4[%add3A_11, %dma_wait3A_20] : memref<800000x128xf32, #tpu.memory_space<hbm>> -> memref<200x128xf32, #tpu.memory_space<hbm>>
        %dma_wait3A_22 = arith.constant 0 : i32
        %dma_wait3A_23 = tpu.memref_slice %arg4[%add3A_11, %dma_wait3A_22] : memref<800000x128xf32, #tpu.memory_space<hbm>> -> memref<200x128xf32, #tpu.memory_space<hbm>>
        tpu.wait_dma2 semaphore(%run_scoped3A : memref<!tpu.dma_semaphore, #tpu.memory_space<semaphore_mem>>) src(%arg6 : memref<200x128xf32, #tpu.memory_space<vmem>>) dst(%dma_wait3A_23 : memref<200x128xf32, #tpu.memory_space<hbm>>)
        tpu.yield
      }) : () -> ()
    }
    %scan3A_7 = arith.constant 125 : i32
    return
  }
}

#map = affine_map<(d0, d1) -> (0, 0)>
#map1 = affine_map<(d0, d1) -> (0)>
module attributes {stable_mosaic.version = 14 : i64} {
  func.func @gk(%arg0: i32, %arg1: i32, %arg2: memref<10000x256xf32, #tpu.memory_space<hbm>>, %arg3: memref<800000xi32, #tpu.memory_space<hbm>>, %arg4: memref<800000x256xf32, #tpu.memory_space<hbm>>, %arg5: memref<200xi32, #tpu.memory_space<vmem>>, %arg6: memref<200x256xf32, #tpu.memory_space<vmem>>, %arg7: memref<!tpu.dma_semaphore, #tpu.memory_space<semaphore_mem>>) attributes {dimension_semantics = [#tpu.dimension_semantics<core_parallel>, #tpu.dimension_semantics<subcore_parallel>], iteration_bounds = array<i64: 2, 16>, scalar_prefetch = 0 : i64, scratch_operands = 3 : i64, tpu.core_type = #tpu.core_type<sc_vector_subcore>, window_params = [{transform_indices = #map}, {transform_indices = #map1}, {transform_indices = #map}]} {
    %mul3A = arith.constant 2 : i32
    %mul3A_0 = arith.muli %arg1, %mul3A : i32
    %add3A = arith.addi %mul3A_0, %arg0 : i32
    %mul3A_1 = arith.constant 25000 : i32
    %mul3A_2 = arith.muli %add3A, %mul3A_1 : i32
    %scan3A = arith.constant 0 : i32
    %scan3A_3 = arith.constant 0 : i32
    %scan3A_4 = arith.constant 125 : i32
    %scan3A_5 = arith.addi %scan3A_3, %scan3A_4 : i32
    %scan3A_6 = arith.constant 1 : i32
    scf.for %scan3A_8 = %scan3A_3 to %scan3A_5 step %scan3A_6  : i32 {
      %mul3A_9 = arith.constant 200 : i32
      %mul3A_10 = arith.muli %scan3A_8, %mul3A_9 : i32
      %add3A_11 = arith.addi %mul3A_2, %mul3A_10 : i32
      "tpu.region"() ({
        %run_scoped3A = tpu.sem_alloc : memref<!tpu.dma_semaphore, #tpu.memory_space<semaphore_mem>>
        %dma_start3A_16 = tpu.memref_slice %arg3[%add3A_11] : memref<800000xi32, #tpu.memory_space<hbm>> -> memref<200xi32, #tpu.memory_space<hbm>>
        %dma_start3A_17 = tpu.memref_slice %arg3[%add3A_11] : memref<800000xi32, #tpu.memory_space<hbm>> -> memref<200xi32, #tpu.memory_space<hbm>>
        tpu.enqueue_dma source(%dma_start3A_17 : memref<200xi32, #tpu.memory_space<hbm>>) target(%arg5 : memref<200xi32, #tpu.memory_space<vmem>>) target_semaphore(%run_scoped3A : memref<!tpu.dma_semaphore, #tpu.memory_space<semaphore_mem>>)
        %dma_wait3A_18 = tpu.memref_slice %arg3[%add3A_11] : memref<800000xi32, #tpu.memory_space<hbm>> -> memref<200xi32, #tpu.memory_space<hbm>>
        %dma_wait3A_19 = tpu.memref_slice %arg3[%add3A_11] : memref<800000xi32, #tpu.memory_space<hbm>> -> memref<200xi32, #tpu.memory_space<hbm>>
        tpu.wait_dma2 semaphore(%run_scoped3A : memref<!tpu.dma_semaphore, #tpu.memory_space<semaphore_mem>>) src(%dma_wait3A_19 : memref<200xi32, #tpu.memory_space<hbm>>) dst(%arg5 : memref<200xi32, #tpu.memory_space<vmem>>)
        tpu.yield
      }) : () -> ()
      %dma_start3A = arith.constant 0 : i32
      %dma_start3A_12 = arith.constant 0 : i32
      %dma_start3A_13 = tpu.memref_slice %arg2[%dma_start3A, %dma_start3A_12] : memref<10000x256xf32, #tpu.memory_space<hbm>> -> memref<10000x256xf32, #tpu.memory_space<hbm>>
      tpu.enqueue_indirect_dma source(%dma_start3A_13 : memref<10000x256xf32, #tpu.memory_space<hbm>>) target(%arg6 : memref<200x256xf32, #tpu.memory_space<vmem>>) offsets(%arg5 : memref<200xi32, #tpu.memory_space<vmem>>) semaphore(%arg7 : memref<!tpu.dma_semaphore, #tpu.memory_space<semaphore_mem>>)
      %dma_wait3A = arith.constant 0 : i32
      %dma_wait3A_14 = arith.constant 0 : i32
      %dma_wait3A_15 = tpu.memref_slice %arg2[%dma_wait3A, %dma_wait3A_14] : memref<10000x256xf32, #tpu.memory_space<hbm>> -> memref<10000x256xf32, #tpu.memory_space<hbm>>
      tpu.wait_indirect_dma semaphore(%arg7 : memref<!tpu.dma_semaphore, #tpu.memory_space<semaphore_mem>>) src(%dma_wait3A_15 : memref<10000x256xf32, #tpu.memory_space<hbm>>) dst(%arg6 : memref<200x256xf32, #tpu.memory_space<vmem>>)
      "tpu.region"() ({
        %run_scoped3A = tpu.sem_alloc : memref<!tpu.dma_semaphore, #tpu.memory_space<semaphore_mem>>
        %dma_start3A_16 = arith.constant 0 : i32
        %dma_start3A_17 = tpu.memref_slice %arg4[%add3A_11, %dma_start3A_16] : memref<800000x256xf32, #tpu.memory_space<hbm>> -> memref<200x256xf32, #tpu.memory_space<hbm>>
        %dma_start3A_18 = arith.constant 0 : i32
        %dma_start3A_19 = tpu.memref_slice %arg4[%add3A_11, %dma_start3A_18] : memref<800000x256xf32, #tpu.memory_space<hbm>> -> memref<200x256xf32, #tpu.memory_space<hbm>>
        tpu.enqueue_dma source(%arg6 : memref<200x256xf32, #tpu.memory_space<vmem>>) target(%dma_start3A_19 : memref<200x256xf32, #tpu.memory_space<hbm>>) target_semaphore(%run_scoped3A : memref<!tpu.dma_semaphore, #tpu.memory_space<semaphore_mem>>)
        %dma_wait3A_20 = arith.constant 0 : i32
        %dma_wait3A_21 = tpu.memref_slice %arg4[%add3A_11, %dma_wait3A_20] : memref<800000x256xf32, #tpu.memory_space<hbm>> -> memref<200x256xf32, #tpu.memory_space<hbm>>
        %dma_wait3A_22 = arith.constant 0 : i32
        %dma_wait3A_23 = tpu.memref_slice %arg4[%add3A_11, %dma_wait3A_22] : memref<800000x256xf32, #tpu.memory_space<hbm>> -> memref<200x256xf32, #tpu.memory_space<hbm>>
        tpu.wait_dma2 semaphore(%run_scoped3A : memref<!tpu.dma_semaphore, #tpu.memory_space<semaphore_mem>>) src(%arg6 : memref<200x256xf32, #tpu.memory_space<vmem>>) dst(%dma_wait3A_23 : memref<200x256xf32, #tpu.memory_space<hbm>>)
        tpu.yield
      }) : () -> ()
    }
    %scan3A_7 = arith.constant 125 : i32
    return
  }
}

module attributes {stable_mosaic.version = 14 : i64} {
  func.func @body(%arg0: memref<10000x128xf32, #tpu.memory_space<vmem>>, %arg1: memref<1x128xf32, #tpu.memory_space<vmem>>, %arg2: memref<1x128xf32, #tpu.memory_space<vmem>>, %arg3: memref<8x128xf32, #tpu.memory_space<vmem>>) attributes {dimension_semantics = [], scalar_prefetch = 0 : i64, scratch_operands = 0 : i64, tpu.core_type = #tpu.core_type<tc>} {
    %get3A = arith.constant 0 : index
    %get3A_0 = arith.constant 0 : index
    %get3A_1 = vector.load %arg0[%get3A, %get3A_0] : memref<10000x128xf32, #tpu.memory_space<vmem>>, vector<10000x128xf32>
    %reduce_sum3A = arith.constant dense<0.000000e+00> : vector<128xf32>
    %reduce_sum3A_2 = vector.multi_reduction <add>, %get3A_1, %reduce_sum3A [0] : vector<10000x128xf32> to vector<128xf32>
    %broadcast_in_dim3A = vector.shape_cast %reduce_sum3A_2 : vector<128xf32> to vector<1x128xf32>
    %div3A = arith.constant 1.000000e+04 : f32
    %div3A_3 = vector.broadcast %div3A : f32 to vector<1x128xf32>
    %div3A_4 = arith.divf %broadcast_in_dim3A, %div3A_3 : vector<1x128xf32>
    %mul3A = arith.mulf %get3A_1, %get3A_1 : vector<10000x128xf32>
    %reduce_sum3A_5 = arith.constant dense<0.000000e+00> : vector<128xf32>
    %reduce_sum3A_6 = vector.multi_reduction <add>, %mul3A, %reduce_sum3A_5 [0] : vector<10000x128xf32> to vector<128xf32>
    %broadcast_in_dim3A_7 = vector.shape_cast %reduce_sum3A_6 : vector<128xf32> to vector<1x128xf32>
    %div3A_8 = arith.constant 1.000000e+04 : f32
    %div3A_9 = vector.broadcast %div3A_8 : f32 to vector<1x128xf32>
    %div3A_10 = arith.divf %broadcast_in_dim3A_7, %div3A_9 : vector<1x128xf32>
    %mul3A_11 = arith.mulf %div3A_4, %div3A_4 : vector<1x128xf32>
    %sub3A = arith.subf %div3A_10, %mul3A_11 : vector<1x128xf32>
    %get3A_12 = arith.constant 0 : index
    %get3A_13 = arith.constant 0 : index
    %get3A_14 = vector.load %arg1[%get3A_12, %get3A_13] : memref<1x128xf32, #tpu.memory_space<vmem>>, vector<1x128xf32>
    %add3A = arith.constant 9.99999974E-6 : f32
    %add3A_15 = vector.broadcast %add3A : f32 to vector<1x128xf32>
    %add3A_16 = arith.addf %sub3A, %add3A_15 : vector<1x128xf32>
    %rsqrt3A = math.rsqrt %add3A_16 : vector<1x128xf32>
    %mul3A_17 = arith.mulf %get3A_14, %rsqrt3A : vector<1x128xf32>
    %get3A_18 = arith.constant 0 : index
    %get3A_19 = arith.constant 0 : index
    %get3A_20 = vector.load %arg2[%get3A_18, %get3A_19] : memref<1x128xf32, #tpu.memory_space<vmem>>, vector<1x128xf32>
    %mul3A_21 = arith.mulf %div3A_4, %mul3A_17 : vector<1x128xf32>
    %sub3A_22 = arith.subf %get3A_20, %mul3A_21 : vector<1x128xf32>
    %broadcast_in_dim3A_23 = arith.constant 0.000000e+00 : f32
    %broadcast_in_dim3A_24 = vector.broadcast %broadcast_in_dim3A_23 : f32 to vector<8x128xf32>
    %swap3A = arith.constant 0 : index
    %swap3A_25 = arith.constant 0 : index
    %swap3A_26 = vector.load %arg3[%swap3A, %swap3A_25] : memref<8x128xf32, #tpu.memory_space<vmem>>, vector<8x128xf32>
    tpu.vector_store %arg3[%swap3A, %swap3A_25], %broadcast_in_dim3A_24 {strides = array<i32>} : memref<8x128xf32, #tpu.memory_space<vmem>>, vector<8x128xf32>,
    %swap3A_27 = arith.constant 0 : index
    %swap3A_28 = arith.constant 0 : index
    %swap3A_29 = vector.load %arg3[%swap3A_27, %swap3A_28] : memref<8x128xf32, #tpu.memory_space<vmem>>, vector<1x128xf32>
    tpu.vector_store %arg3[%swap3A_27, %swap3A_28], %mul3A_17 {strides = array<i32>} : memref<8x128xf32, #tpu.memory_space<vmem>>, vector<1x128xf32>,
    %swap3A_30 = arith.constant 1 : index
    %swap3A_31 = arith.constant 0 : index
    %swap3A_32 = vector.load %arg3[%swap3A_30, %swap3A_31] : memref<8x128xf32, #tpu.memory_space<vmem>>, vector<1x128xf32>
    tpu.vector_store %arg3[%swap3A_30, %swap3A_31], %sub3A_22 {strides = array<i32>} : memref<8x128xf32, #tpu.memory_space<vmem>>, vector<1x128xf32>,
    return
  }
}

module attributes {stable_mosaic.version = 14 : i64} {
  func.func @body(%arg0: i32, %arg1: i32, %arg2: memref<1xi32, #tpu.memory_space<smem>>, %arg3: memref<1x2000x128xf32, #tpu.memory_space<vmem>>, %arg4: memref<2000x128xf32, #tpu.memory_space<vmem>>, %arg5: memref<2000x128xf32, #tpu.memory_space<vmem>>, %arg6: memref<2000x1xf32, #tpu.memory_space<vmem>>, %arg7: memref<8x128xf32, #tpu.memory_space<vmem>>, %arg8: memref<256x512xf32, #tpu.memory_space<vmem>>, %arg9: memref<1x512xf32, #tpu.memory_space<vmem>>, %arg10: memref<128x128xf32, #tpu.memory_space<vmem>>, %arg11: memref<128x128xf32, #tpu.memory_space<vmem>>, %arg12: memref<128x128xf32, #tpu.memory_space<vmem>>, %arg13: memref<1x128xf32, #tpu.memory_space<vmem>>, %arg14: memref<1x128xf32, #tpu.memory_space<vmem>>, %arg15: memref<1x128xf32, #tpu.memory_space<vmem>>, %arg16: memref<1x128xf32, #tpu.memory_space<vmem>>, %arg17: memref<2000x256xf32, #tpu.memory_space<vmem>>, %arg18: memref<2000x128xf32, #tpu.memory_space<vmem>>) attributes {dimension_semantics = [#tpu.dimension_semantics<arbitrary>, #tpu.dimension_semantics<arbitrary>], iteration_bounds = array<i64: 5, 80>, scalar_prefetch = 1 : i64, scratch_operands = 1 : i64, tpu.core_type = #tpu.core_type<tc>, window_params = [{transform_indices = @transform_0, window_bounds = array<i64: 1, 2000, 128>}, {transform_indices = @transform_1, window_bounds = array<i64: 2000, 128>}, {transform_indices = @transform_2, window_bounds = array<i64: 2000, 128>}, {transform_indices = @transform_3, window_bounds = array<i64: 2000, 1>}, {pipeline_mode = #tpu.pipeline_mode<synchronous>, transform_indices = @transform_4, window_bounds = array<i64: 8, 128>}, {pipeline_mode = #tpu.pipeline_mode<synchronous>, transform_indices = @transform_5, window_bounds = array<i64: 256, 512>}, {pipeline_mode = #tpu.pipeline_mode<synchronous>, transform_indices = @transform_6, window_bounds = array<i64: 1, 512>}, {pipeline_mode = #tpu.pipeline_mode<synchronous>, transform_indices = @transform_7, window_bounds = array<i64: 128, 128>}, {pipeline_mode = #tpu.pipeline_mode<synchronous>, transform_indices = @transform_8, window_bounds = array<i64: 128, 128>}, {pipeline_mode = #tpu.pipeline_mode<synchronous>, transform_indices = @transform_9, window_bounds = array<i64: 128, 128>}, {pipeline_mode = #tpu.pipeline_mode<synchronous>, transform_indices = @transform_10, window_bounds = array<i64: 1, 128>}, {pipeline_mode = #tpu.pipeline_mode<synchronous>, transform_indices = @transform_11, window_bounds = array<i64: 1, 128>}, {pipeline_mode = #tpu.pipeline_mode<synchronous>, transform_indices = @transform_12, window_bounds = array<i64: 1, 128>}, {pipeline_mode = #tpu.pipeline_mode<synchronous>, transform_indices = @transform_13, window_bounds = array<i64: 1, 128>}, {transform_indices = @transform_14, window_bounds = array<i64: 2000, 256>}]} {
    %get3A = arith.constant 0 : index
    %get3A_0 = memref.load %arg2[%get3A] : memref<1xi32, #tpu.memory_space<smem>>
    %eq3A = arith.constant 0 : i32
    %eq3A_1 = arith.cmpi eq, %arg1, %eq3A : i32
    %convert_element_type3A = arith.extui %eq3A_1 : i1 to i32
    %cond3A = arith.constant 0 : i32
    %cond3A_2 = arith.cmpi ne, %convert_element_type3A, %cond3A : i32
    scf.if %cond3A_2 {
      %broadcast_in_dim3A = arith.constant 0.000000e+00 : f32
      %broadcast_in_dim3A_11 = vector.broadcast %broadcast_in_dim3A : f32 to vector<2000x128xf32>
      %swap3A = arith.constant 0 : index
      %swap3A_12 = arith.constant 0 : index
      %swap3A_13 = vector.load %arg18[%swap3A, %swap3A_12] : memref<2000x128xf32, #tpu.memory_space<vmem>>, vector<2000x128xf32>
      tpu.vector_store %arg18[%swap3A, %swap3A_12], %broadcast_in_dim3A_11 {strides = array<i32>} : memref<2000x128xf32, #tpu.memory_space<vmem>>, vector<2000x128xf32>,
    } else {
    }
    %lt3A = arith.cmpi slt, %arg1, %get3A_0 : i32
    %convert_element_type3A_3 = arith.extui %lt3A : i1 to i32
    %cond3A_4 = arith.constant 0 : i32
    %cond3A_5 = arith.cmpi ne, %convert_element_type3A_3, %cond3A_4 : i32
    scf.if %cond3A_5 {
      %get3A_11 = arith.constant 0 : index
      %get3A_12 = arith.constant 0 : index
      %get3A_13 = vector.load %arg7[%get3A_11, %get3A_12] : memref<8x128xf32, #tpu.memory_space<vmem>>, vector<1x128xf32>
      %get3A_14 = arith.constant 1 : index
      %get3A_15 = arith.constant 0 : index
      %get3A_16 = vector.load %arg7[%get3A_14, %get3A_15] : memref<8x128xf32, #tpu.memory_space<vmem>>, vector<1x128xf32>
      %get3A_17 = arith.constant 0 : index
      %get3A_18 = arith.constant 0 : index
      %get3A_19 = vector.load %arg6[%get3A_17, %get3A_18] : memref<2000x1xf32, #tpu.memory_space<vmem>>, vector<2000x1xf32>
      %convert_element_type3A_20 = arith.sitofp %arg1 : i32 to f32
      %gt3A = vector.broadcast %convert_element_type3A_20 : f32 to vector<2000x1xf32>
      %gt3A_21 = arith.cmpf ogt, %get3A_19, %gt3A : vector<2000x1xf32>
      %get3A_22 = arith.constant 0 : index
      %get3A_23 = arith.constant 0 : index
      %get3A_24 = arith.constant 0 : index
      %get3A_25 = vector.load %arg3[%get3A_22, %get3A_23, %get3A_24] : memref<1x2000x128xf32, #tpu.memory_space<vmem>>, vector<1x2000x128xf32>
      %get3A_26 = vector.shape_cast %get3A_25 : vector<1x2000x128xf32> to vector<2000x128xf32>
      %mul3A = vector.broadcast %get3A_13 : vector<1x128xf32> to vector<2000x128xf32>
      %mul3A_27 = arith.mulf %get3A_26, %mul3A : vector<2000x128xf32>
      %add3A = vector.broadcast %get3A_16 : vector<1x128xf32> to vector<2000x128xf32>
      %add3A_28 = arith.addf %mul3A_27, %add3A : vector<2000x128xf32>
      %jit3A = arith.constant 0.000000e+00 : f32
      %broadcast_in_dim3A = vector.shape_cast %gt3A_21 : vector<2000x1xi1> to vector<2000x1xi1>
      %broadcast_in_dim3A_29 = vector.broadcast %broadcast_in_dim3A : vector<2000x1xi1> to vector<2000x128xi1>
      %broadcast_in_dim3A_30 = vector.broadcast %jit3A : f32 to vector<2000x128xf32>
      %select_n3A = arith.select %broadcast_in_dim3A_29, %add3A_28, %broadcast_in_dim3A_30 : vector<2000x128xi1>, vector<2000x128xf32>
      %get3A_31 = arith.constant 0 : index
      %get3A_32 = arith.constant 0 : index
      %get3A_33 = vector.load %arg18[%get3A_31, %get3A_32] : memref<2000x128xf32, #tpu.memory_space<vmem>>, vector<2000x128xf32>
      %concatenate3A = tpu.concatenate %select_n3A, %get3A_33 in 1 : vector<2000x128xf32>, vector<2000x128xf32> -> vector<2000x256xf32>
      %get3A_34 = arith.constant 0 : index
      %get3A_35 = arith.constant 0 : index
      %get3A_36 = vector.load %arg8[%get3A_34, %get3A_35] : memref<256x512xf32, #tpu.memory_space<vmem>>, vector<256x512xf32>
      %dot_general3A = arith.constant dense<0.000000e+00> : vector<2000x512xf32>
      %dot_general3A_37 = tpu.matmul %concatenate3A, %get3A_36, %dot_general3A {dimension_numbers = #tpu.dot_dimension_numbers<[1], [0], [0], [1], [0, 0, 1, 1], [], []>, transpose_lhs_hint = false} : vector<2000x256xf32>, vector<256x512xf32>, vector<2000x512xf32> -> vector<2000x512xf32>
      %get3A_38 = arith.constant 0 : index
      %get3A_39 = arith.constant 0 : index
      %get3A_40 = vector.load %arg9[%get3A_38, %get3A_39] : memref<1x512xf32, #tpu.memory_space<vmem>>, vector<1x512xf32>
      %add3A_41 = vector.broadcast %get3A_40 : vector<1x512xf32> to vector<2000x512xf32>
      %add3A_42 = arith.addf %dot_general3A_37, %add3A_41 : vector<2000x512xf32>
      %slice3A = vector.extract_strided_slice %add3A_42 {offsets = [0, 0], sizes = [2000, 256], strides = [1, 1]} : vector<2000x512xf32> to vector<2000x256xf32>
      %logistic3A = arith.negf %slice3A : vector<2000x256xf32>
      %logistic3A_43 = math.exp %logistic3A : vector<2000x256xf32>
      %logistic3A_44 = arith.constant 1.000000e+00 : f32
      %logistic3A_45 = vector.broadcast %logistic3A_44 : f32 to vector<2000x256xf32>
      %logistic3A_46 = arith.addf %logistic3A_45, %logistic3A_43 : vector<2000x256xf32>
      %logistic3A_47 = arith.divf %logistic3A_45, %logistic3A_46 : vector<2000x256xf32>
      %slice3A_48 = vector.extract_strided_slice %logistic3A_47 {offsets = [0, 0], sizes = [2000, 128], strides = [1, 1]} : vector<2000x256xf32> to vector<2000x128xf32>
      %slice3A_49 = vector.extract_strided_slice %logistic3A_47 {offsets = [0, 128], sizes = [2000, 128], strides = [1, 1]} : vector<2000x256xf32> to vector<2000x128xf32>
      %slice3A_50 = vector.extract_strided_slice %add3A_42 {offsets = [0, 256], sizes = [2000, 128], strides = [1, 1]} : vector<2000x512xf32> to vector<2000x128xf32>
      %slice3A_51 = vector.extract_strided_slice %add3A_42 {offsets = [0, 384], sizes = [2000, 128], strides = [1, 1]} : vector<2000x512xf32> to vector<2000x128xf32>
      %mul3A_52 = arith.mulf %slice3A_48, %slice3A_51 : vector<2000x128xf32>
      %add3A_53 = arith.addf %slice3A_50, %mul3A_52 : vector<2000x128xf32>
      %tanh3A = math.tanh %add3A_53 : vector<2000x128xf32>
      %sub3A = arith.constant 1.000000e+00 : f32
      %sub3A_54 = vector.broadcast %sub3A : f32 to vector<2000x128xf32>
      %sub3A_55 = arith.subf %sub3A_54, %slice3A_49 : vector<2000x128xf32>
      %mul3A_56 = arith.mulf %sub3A_55, %tanh3A : vector<2000x128xf32>
      %mul3A_57 = arith.mulf %slice3A_49, %get3A_33 : vector<2000x128xf32>
      %add3A_58 = arith.addf %mul3A_56, %mul3A_57 : vector<2000x128xf32>
      %broadcast_in_dim3A_59 = vector.shape_cast %gt3A_21 : vector<2000x1xi1> to vector<2000x1xi1>
      %broadcast_in_dim3A_60 = vector.broadcast %broadcast_in_dim3A_59 : vector<2000x1xi1> to vector<2000x128xi1>
      %select_n3A_61 = arith.select %broadcast_in_dim3A_60, %add3A_58, %get3A_33 : vector<2000x128xi1>, vector<2000x128xf32>
      %swap3A = arith.constant 0 : index
      %swap3A_62 = arith.constant 0 : index
      %swap3A_63 = vector.load %arg18[%swap3A, %swap3A_62] : memref<2000x128xf32, #tpu.memory_space<vmem>>, vector<2000x128xf32>
      tpu.vector_store %arg18[%swap3A, %swap3A_62], %select_n3A_61 {strides = array<i32>} : memref<2000x128xf32, #tpu.memory_space<vmem>>, vector<2000x128xf32>,
    } else {
    }
    %eq3A_6 = arith.constant 79 : i32
    %eq3A_7 = arith.cmpi eq, %arg1, %eq3A_6 : i32
    %convert_element_type3A_8 = arith.extui %eq3A_7 : i1 to i32
    %cond3A_9 = arith.constant 0 : i32
    %cond3A_10 = arith.cmpi ne, %convert_element_type3A_8, %cond3A_9 : i32
    scf.if %cond3A_10 {
      %get3A_11 = arith.constant 0 : index
      %get3A_12 = arith.constant 0 : index
      %get3A_13 = vector.load %arg7[%get3A_11, %get3A_12] : memref<8x128xf32, #tpu.memory_space<vmem>>, vector<1x128xf32>
      %get3A_14 = arith.constant 1 : index
      %get3A_15 = arith.constant 0 : index
      %get3A_16 = vector.load %arg7[%get3A_14, %get3A_15] : memref<8x128xf32, #tpu.memory_space<vmem>>, vector<1x128xf32>
      %get3A_17 = arith.constant 0 : index
      %get3A_18 = arith.constant 0 : index
      %get3A_19 = vector.load %arg4[%get3A_17, %get3A_18] : memref<2000x128xf32, #tpu.memory_space<vmem>>, vector<2000x128xf32>
      %mul3A = vector.broadcast %get3A_13 : vector<1x128xf32> to vector<2000x128xf32>
      %mul3A_20 = arith.mulf %get3A_19, %mul3A : vector<2000x128xf32>
      %add3A = vector.broadcast %get3A_16 : vector<1x128xf32> to vector<2000x128xf32>
      %add3A_21 = arith.addf %mul3A_20, %add3A : vector<2000x128xf32>
      %get3A_22 = arith.constant 0 : index
      %get3A_23 = arith.constant 0 : index
      %get3A_24 = vector.load %arg10[%get3A_22, %get3A_23] : memref<128x128xf32, #tpu.memory_space<vmem>>, vector<128x128xf32>
      %dot_general3A = arith.constant dense<0.000000e+00> : vector<2000x128xf32>
      %dot_general3A_25 = tpu.matmul %add3A_21, %get3A_24, %dot_general3A {dimension_numbers = #tpu.dot_dimension_numbers<[1], [0], [0], [1], [0, 0, 1, 1], [], []>, transpose_lhs_hint = false} : vector<2000x128xf32>, vector<128x128xf32>, vector<2000x128xf32> -> vector<2000x128xf32>
      %get3A_26 = arith.constant 0 : index
      %get3A_27 = arith.constant 0 : index
      %get3A_28 = vector.load %arg18[%get3A_26, %get3A_27] : memref<2000x128xf32, #tpu.memory_space<vmem>>, vector<2000x128xf32>
      %get3A_29 = arith.constant 0 : index
      %get3A_30 = arith.constant 0 : index
      %get3A_31 = vector.load %arg11[%get3A_29, %get3A_30] : memref<128x128xf32, #tpu.memory_space<vmem>>, vector<128x128xf32>
      %dot_general3A_32 = arith.constant dense<0.000000e+00> : vector<2000x128xf32>
      %dot_general3A_33 = tpu.matmul %get3A_28, %get3A_31, %dot_general3A_32 {dimension_numbers = #tpu.dot_dimension_numbers<[1], [0], [0], [1], [0, 0, 1, 1], [], []>, transpose_lhs_hint = false} : vector<2000x128xf32>, vector<128x128xf32>, vector<2000x128xf32> -> vector<2000x128xf32>
      %add3A_34 = arith.addf %dot_general3A_25, %dot_general3A_33 : vector<2000x128xf32>
      %get3A_35 = arith.constant 0 : index
      %get3A_36 = arith.constant 0 : index
      %get3A_37 = vector.load %arg12[%get3A_35, %get3A_36] : memref<128x128xf32, #tpu.memory_space<vmem>>, vector<128x128xf32>
      %dot_general3A_38 = arith.constant dense<0.000000e+00> : vector<2000x128xf32>
      %dot_general3A_39 = tpu.matmul %add3A_34, %get3A_37, %dot_general3A_38 {dimension_numbers = #tpu.dot_dimension_numbers<[1], [0], [0], [1], [0, 0, 1, 1], [], []>, transpose_lhs_hint = false} : vector<2000x128xf32>, vector<128x128xf32>, vector<2000x128xf32> -> vector<2000x128xf32>
      %get3A_40 = arith.constant 0 : index
      %get3A_41 = arith.constant 0 : index
      %get3A_42 = vector.load %arg13[%get3A_40, %get3A_41] : memref<1x128xf32, #tpu.memory_space<vmem>>, vector<1x128xf32>
      %mul3A_43 = vector.broadcast %get3A_42 : vector<1x128xf32> to vector<2000x128xf32>
      %mul3A_44 = arith.mulf %dot_general3A_39, %mul3A_43 : vector<2000x128xf32>
      %reduce_sum3A = arith.constant dense<0.000000e+00> : vector<2000xf32>
      %reduce_sum3A_45 = vector.multi_reduction <add>, %mul3A_44, %reduce_sum3A [1] : vector<2000x128xf32> to vector<2000xf32>
      %broadcast_in_dim3A = vector.shape_cast %reduce_sum3A_45 : vector<2000xf32> to vector<2000x1xf32>
      %get3A_46 = arith.constant 0 : index
      %get3A_47 = arith.constant 0 : index
      %get3A_48 = vector.load %arg5[%get3A_46, %get3A_47] : memref<2000x128xf32, #tpu.memory_space<vmem>>, vector<2000x128xf32>
      %get3A_49 = arith.constant 0 : index
      %get3A_50 = arith.constant 0 : index
      %get3A_51 = vector.load %arg15[%get3A_49, %get3A_50] : memref<1x128xf32, #tpu.memory_space<vmem>>, vector<1x128xf32>
      %mul3A_52 = vector.broadcast %get3A_51 : vector<1x128xf32> to vector<2000x128xf32>
      %mul3A_53 = arith.mulf %get3A_48, %mul3A_52 : vector<2000x128xf32>
      %reduce_sum3A_54 = arith.constant dense<0.000000e+00> : vector<2000xf32>
      %reduce_sum3A_55 = vector.multi_reduction <add>, %mul3A_53, %reduce_sum3A_54 [1] : vector<2000x128xf32> to vector<2000xf32>
      %broadcast_in_dim3A_56 = vector.shape_cast %reduce_sum3A_55 : vector<2000xf32> to vector<2000x1xf32>
      %add3A_57 = arith.addf %broadcast_in_dim3A, %broadcast_in_dim3A_56 : vector<2000x1xf32>
      %get3A_58 = arith.constant 0 : index
      %get3A_59 = arith.constant 0 : index
      %get3A_60 = vector.load %arg14[%get3A_58, %get3A_59] : memref<1x128xf32, #tpu.memory_space<vmem>>, vector<1x128xf32>
      %mul3A_61 = vector.broadcast %get3A_60 : vector<1x128xf32> to vector<2000x128xf32>
      %mul3A_62 = arith.mulf %dot_general3A_39, %mul3A_61 : vector<2000x128xf32>
      %reduce_sum3A_63 = arith.constant dense<0.000000e+00> : vector<2000xf32>
      %reduce_sum3A_64 = vector.multi_reduction <add>, %mul3A_62, %reduce_sum3A_63 [1] : vector<2000x128xf32> to vector<2000xf32>
      %broadcast_in_dim3A_65 = vector.shape_cast %reduce_sum3A_64 : vector<2000xf32> to vector<2000x1xf32>
      %get3A_66 = arith.constant 0 : index
      %get3A_67 = arith.constant 0 : index
      %get3A_68 = vector.load %arg5[%get3A_66, %get3A_67] : memref<2000x128xf32, #tpu.memory_space<vmem>>, vector<2000x128xf32>
      %get3A_69 = arith.constant 0 : index
      %get3A_70 = arith.constant 0 : index
      %get3A_71 = vector.load %arg16[%get3A_69, %get3A_70] : memref<1x128xf32, #tpu.memory_space<vmem>>, vector<1x128xf32>
      %mul3A_72 = vector.broadcast %get3A_71 : vector<1x128xf32> to vector<2000x128xf32>
      %mul3A_73 = arith.mulf %get3A_68, %mul3A_72 : vector<2000x128xf32>
      %reduce_sum3A_74 = arith.constant dense<0.000000e+00> : vector<2000xf32>
      %reduce_sum3A_75 = vector.multi_reduction <add>, %mul3A_73, %reduce_sum3A_74 [1] : vector<2000x128xf32> to vector<2000xf32>
      %broadcast_in_dim3A_76 = vector.shape_cast %reduce_sum3A_75 : vector<2000xf32> to vector<2000x1xf32>
      %add3A_77 = arith.addf %broadcast_in_dim3A_65, %broadcast_in_dim3A_76 : vector<2000x1xf32>
      %iota3A = tpu.iota {dimensions = array<i32: 1>} : vector<2000x128xi32>
      %eq3A_78 = arith.constant 0 : i32
      %eq3A_79 = vector.broadcast %eq3A_78 : i32 to vector<2000x128xi32>
      %eq3A_80 = arith.cmpi eq, %iota3A, %eq3A_79 : vector<2000x128xi32>
      %jit3A = arith.constant 0.000000e+00 : f32
      %broadcast_in_dim3A_81 = vector.shape_cast %add3A_57 : vector<2000x1xf32> to vector<2000x1xf32>
      %broadcast_in_dim3A_82 = vector.broadcast %broadcast_in_dim3A_81 : vector<2000x1xf32> to vector<2000x128xf32>
      %broadcast_in_dim3A_83 = vector.broadcast %jit3A : f32 to vector<2000x128xf32>
      %select_n3A = arith.select %eq3A_80, %broadcast_in_dim3A_82, %broadcast_in_dim3A_83 : vector<2000x128xi1>, vector<2000x128xf32>
      %eq3A_84 = arith.constant 1 : i32
      %eq3A_85 = vector.broadcast %eq3A_84 : i32 to vector<2000x128xi32>
      %eq3A_86 = arith.cmpi eq, %iota3A, %eq3A_85 : vector<2000x128xi32>
      %jit3A_87 = arith.constant 0.000000e+00 : f32
      %broadcast_in_dim3A_88 = vector.shape_cast %add3A_77 : vector<2000x1xf32> to vector<2000x1xf32>
      %broadcast_in_dim3A_89 = vector.broadcast %broadcast_in_dim3A_88 : vector<2000x1xf32> to vector<2000x128xf32>
      %broadcast_in_dim3A_90 = vector.broadcast %jit3A_87 : f32 to vector<2000x128xf32>
      %select_n3A_91 = arith.select %eq3A_86, %broadcast_in_dim3A_89, %broadcast_in_dim3A_90 : vector<2000x128xi1>, vector<2000x128xf32>
      %add3A_92 = arith.addf %select_n3A, %select_n3A_91 : vector<2000x128xf32>
      %swap3A = arith.constant 0 : index
      %swap3A_93 = arith.constant 0 : index
      %swap3A_94 = vector.load %arg17[%swap3A, %swap3A_93] : memref<2000x256xf32, #tpu.memory_space<vmem>>, vector<2000x128xf32>
      tpu.vector_store %arg17[%swap3A, %swap3A_93], %dot_general3A_39 {strides = array<i32>} : memref<2000x256xf32, #tpu.memory_space<vmem>>, vector<2000x128xf32>,
      %swap3A_95 = arith.constant 0 : index
      %swap3A_96 = arith.constant 128 : index
      %swap3A_97 = vector.load %arg17[%swap3A_95, %swap3A_96] : memref<2000x256xf32, #tpu.memory_space<vmem>>, vector<2000x128xf32>
      tpu.vector_store %arg17[%swap3A_95, %swap3A_96], %add3A_92 {strides = array<i32>} : memref<2000x256xf32, #tpu.memory_space<vmem>>, vector<2000x128xf32>,
    } else {
    }
    return
  }
  func.func @transform_0(%arg0: i32, %arg1: i32, %arg2: memref<1xi32, #tpu.memory_space<smem>>) -> (i32, i32, i32) {
    %get3A = arith.constant 0 : index
    %get3A_0 = memref.load %arg2[%get3A] : memref<1xi32, #tpu.memory_space<smem>>
    %sub3A = arith.constant 1 : i32
    %sub3A_1 = arith.subi %get3A_0, %sub3A : i32
    %min3A = arith.minsi %arg1, %sub3A_1 : i32
    %c0_i32 = arith.constant 0 : i32
    %c0_i32_2 = arith.constant 0 : i32
    return %min3A, %arg0, %c0_i32 : i32, i32, i32
  }
  func.func @transform_1(%arg0: i32, %arg1: i32, %arg2: memref<1xi32, #tpu.memory_space<smem>>) -> (i32, i32) {
    %c0_i32 = arith.constant 0 : i32
    %c0_i32_0 = arith.constant 0 : i32
    return %arg0, %c0_i32 : i32, i32
  }
  func.func @transform_2(%arg0: i32, %arg1: i32, %arg2: memref<1xi32, #tpu.memory_space<smem>>) -> (i32, i32) {
    %c0_i32 = arith.constant 0 : i32
    %c0_i32_0 = arith.constant 0 : i32
    return %arg0, %c0_i32 : i32, i32
  }
  func.func @transform_3(%arg0: i32, %arg1: i32, %arg2: memref<1xi32, #tpu.memory_space<smem>>) -> (i32, i32) {
    %c0_i32 = arith.constant 0 : i32
    %c0_i32_0 = arith.constant 0 : i32
    return %arg0, %c0_i32 : i32, i32
  }
  func.func @transform_4(%arg0: i32, %arg1: i32, %arg2: memref<1xi32, #tpu.memory_space<smem>>) -> (i32, i32) {
    %c0_i32 = arith.constant 0 : i32
    %c0_i32_0 = arith.constant 0 : i32
    %c0_i32_1 = arith.constant 0 : i32
    return %c0_i32, %c0_i32_0 : i32, i32
  }
  func.func @transform_5(%arg0: i32, %arg1: i32, %arg2: memref<1xi32, #tpu.memory_space<smem>>) -> (i32, i32) {
    %c0_i32 = arith.constant 0 : i32
    %c0_i32_0 = arith.constant 0 : i32
    %c0_i32_1 = arith.constant 0 : i32
    return %c0_i32, %c0_i32_0 : i32, i32
  }
  func.func @transform_6(%arg0: i32, %arg1: i32, %arg2: memref<1xi32, #tpu.memory_space<smem>>) -> (i32, i32) {
    %c0_i32 = arith.constant 0 : i32
    %c0_i32_0 = arith.constant 0 : i32
    %c0_i32_1 = arith.constant 0 : i32
    return %c0_i32, %c0_i32_0 : i32, i32
  }
  func.func @transform_7(%arg0: i32, %arg1: i32, %arg2: memref<1xi32, #tpu.memory_space<smem>>) -> (i32, i32) {
    %c0_i32 = arith.constant 0 : i32
    %c0_i32_0 = arith.constant 0 : i32
    %c0_i32_1 = arith.constant 0 : i32
    return %c0_i32, %c0_i32_0 : i32, i32
  }
  func.func @transform_8(%arg0: i32, %arg1: i32, %arg2: memref<1xi32, #tpu.memory_space<smem>>) -> (i32, i32) {
    %c0_i32 = arith.constant 0 : i32
    %c0_i32_0 = arith.constant 0 : i32
    %c0_i32_1 = arith.constant 0 : i32
    return %c0_i32, %c0_i32_0 : i32, i32
  }
  func.func @transform_9(%arg0: i32, %arg1: i32, %arg2: memref<1xi32, #tpu.memory_space<smem>>) -> (i32, i32) {
    %c0_i32 = arith.constant 0 : i32
    %c0_i32_0 = arith.constant 0 : i32
    %c0_i32_1 = arith.constant 0 : i32
    return %c0_i32, %c0_i32_0 : i32, i32
  }
  func.func @transform_10(%arg0: i32, %arg1: i32, %arg2: memref<1xi32, #tpu.memory_space<smem>>) -> (i32, i32) {
    %c0_i32 = arith.constant 0 : i32
    %c0_i32_0 = arith.constant 0 : i32
    %c0_i32_1 = arith.constant 0 : i32
    return %c0_i32, %c0_i32_0 : i32, i32
  }
  func.func @transform_11(%arg0: i32, %arg1: i32, %arg2: memref<1xi32, #tpu.memory_space<smem>>) -> (i32, i32) {
    %c0_i32 = arith.constant 0 : i32
    %c0_i32_0 = arith.constant 0 : i32
    %c0_i32_1 = arith.constant 0 : i32
    return %c0_i32, %c0_i32_0 : i32, i32
  }
  func.func @transform_12(%arg0: i32, %arg1: i32, %arg2: memref<1xi32, #tpu.memory_space<smem>>) -> (i32, i32) {
    %c0_i32 = arith.constant 0 : i32
    %c0_i32_0 = arith.constant 0 : i32
    %c0_i32_1 = arith.constant 0 : i32
    return %c0_i32, %c0_i32_0 : i32, i32
  }
  func.func @transform_13(%arg0: i32, %arg1: i32, %arg2: memref<1xi32, #tpu.memory_space<smem>>) -> (i32, i32) {
    %c0_i32 = arith.constant 0 : i32
    %c0_i32_0 = arith.constant 0 : i32
    %c0_i32_1 = arith.constant 0 : i32
    return %c0_i32, %c0_i32_0 : i32, i32
  }
  func.func @transform_14(%arg0: i32, %arg1: i32, %arg2: memref<1xi32, #tpu.memory_space<smem>>) -> (i32, i32) {
    %c0_i32 = arith.constant 0 : i32
    %c0_i32_0 = arith.constant 0 : i32
    return %arg0, %c0_i32 : i32, i32
  }
}

module attributes {stable_mosaic.version = 14 : i64} {
  func.func @body(%arg0: i32, %arg1: i32, %arg2: memref<1xi32, #tpu.memory_space<smem>>, %arg3: memref<1x2000x256xf32, #tpu.memory_space<vmem>>, %arg4: memref<2000x256xf32, #tpu.memory_space<vmem>>, %arg5: memref<2000x1xf32, #tpu.memory_space<vmem>>, %arg6: memref<2000x128xf32, #tpu.memory_space<vmem>>, %arg7: memref<2000x1xf32, #tpu.memory_space<vmem>>, %arg8: memref<2000x1xf32, #tpu.memory_space<vmem>>, %arg9: memref<2000x128xf32, #tpu.memory_space<vmem>>) attributes {dimension_semantics = [#tpu.dimension_semantics<arbitrary>, #tpu.dimension_semantics<arbitrary>], iteration_bounds = array<i64: 5, 80>, scalar_prefetch = 1 : i64, scratch_operands = 3 : i64, tpu.core_type = #tpu.core_type<tc>, window_params = [{transform_indices = @transform_0, window_bounds = array<i64: 1, 2000, 256>}, {transform_indices = @transform_1, window_bounds = array<i64: 2000, 256>}, {transform_indices = @transform_2, window_bounds = array<i64: 2000, 1>}, {transform_indices = @transform_3, window_bounds = array<i64: 2000, 128>}]} {
    %get3A = arith.constant 0 : index
    %get3A_0 = memref.load %arg2[%get3A] : memref<1xi32, #tpu.memory_space<smem>>
    %eq3A = arith.constant 0 : i32
    %eq3A_1 = arith.cmpi eq, %arg1, %eq3A : i32
    %convert_element_type3A = arith.extui %eq3A_1 : i1 to i32
    %cond3A = arith.constant 0 : i32
    %cond3A_2 = arith.cmpi ne, %convert_element_type3A, %cond3A : i32
    scf.if %cond3A_2 {
      %broadcast_in_dim3A = arith.constant -1.000000e+30 : f32
      %broadcast_in_dim3A_11 = vector.broadcast %broadcast_in_dim3A : f32 to vector<2000x1xf32>
      %swap3A = arith.constant 0 : index
      %swap3A_12 = arith.constant 0 : index
      %swap3A_13 = vector.load %arg7[%swap3A, %swap3A_12] : memref<2000x1xf32, #tpu.memory_space<vmem>>, vector<2000x1xf32>
      tpu.vector_store %arg7[%swap3A, %swap3A_12], %broadcast_in_dim3A_11 {strides = array<i32>} : memref<2000x1xf32, #tpu.memory_space<vmem>>, vector<2000x1xf32>,
      %broadcast_in_dim3A_14 = arith.constant 0.000000e+00 : f32
      %broadcast_in_dim3A_15 = vector.broadcast %broadcast_in_dim3A_14 : f32 to vector<2000x1xf32>
      %swap3A_16 = arith.constant 0 : index
      %swap3A_17 = arith.constant 0 : index
      %swap3A_18 = vector.load %arg8[%swap3A_16, %swap3A_17] : memref<2000x1xf32, #tpu.memory_space<vmem>>, vector<2000x1xf32>
      tpu.vector_store %arg8[%swap3A_16, %swap3A_17], %broadcast_in_dim3A_15 {strides = array<i32>} : memref<2000x1xf32, #tpu.memory_space<vmem>>, vector<2000x1xf32>,
      %broadcast_in_dim3A_19 = arith.constant 0.000000e+00 : f32
      %broadcast_in_dim3A_20 = vector.broadcast %broadcast_in_dim3A_19 : f32 to vector<2000x128xf32>
      %swap3A_21 = arith.constant 0 : index
      %swap3A_22 = arith.constant 0 : index
      %swap3A_23 = vector.load %arg9[%swap3A_21, %swap3A_22] : memref<2000x128xf32, #tpu.memory_space<vmem>>, vector<2000x128xf32>
      tpu.vector_store %arg9[%swap3A_21, %swap3A_22], %broadcast_in_dim3A_20 {strides = array<i32>} : memref<2000x128xf32, #tpu.memory_space<vmem>>, vector<2000x128xf32>,
    } else {
    }
    %lt3A = arith.cmpi slt, %arg1, %get3A_0 : i32
    %convert_element_type3A_3 = arith.extui %lt3A : i1 to i32
    %cond3A_4 = arith.constant 0 : i32
    %cond3A_5 = arith.cmpi ne, %convert_element_type3A_3, %cond3A_4 : i32
    scf.if %cond3A_5 {
      %get3A_11 = arith.constant 0 : index
      %get3A_12 = arith.constant 0 : index
      %get3A_13 = arith.constant 0 : index
      %get3A_14 = vector.load %arg3[%get3A_11, %get3A_12, %get3A_13] : memref<1x2000x256xf32, #tpu.memory_space<vmem>>, vector<1x2000x256xf32>
      %get3A_15 = vector.shape_cast %get3A_14 : vector<1x2000x256xf32> to vector<2000x256xf32>
      %slice3A = vector.extract_strided_slice %get3A_15 {offsets = [0, 128], sizes = [2000, 1], strides = [1, 1]} : vector<2000x256xf32> to vector<2000x1xf32>
      %get3A_16 = arith.constant 0 : index
      %get3A_17 = arith.constant 129 : index
      %get3A_18 = vector.load %arg4[%get3A_16, %get3A_17] : memref<2000x256xf32, #tpu.memory_space<vmem>>, vector<2000x1xf32>
      %add3A = arith.addf %slice3A, %get3A_18 : vector<2000x1xf32>
      %ge3A = arith.constant 0.000000e+00 : f32
      %ge3A_19 = vector.broadcast %ge3A : f32 to vector<2000x1xf32>
      %ge3A_20 = arith.cmpf oge, %add3A, %ge3A_19 : vector<2000x1xf32>
      %mul3A = arith.constant 0.00999999977 : f32
      %mul3A_21 = vector.broadcast %mul3A : f32 to vector<2000x1xf32>
      %mul3A_22 = arith.mulf %mul3A_21, %add3A : vector<2000x1xf32>
      %select_n3A = arith.select %ge3A_20, %add3A, %mul3A_22 : vector<2000x1xi1>, vector<2000x1xf32>
      %get3A_23 = arith.constant 0 : index
      %get3A_24 = arith.constant 0 : index
      %get3A_25 = vector.load %arg5[%get3A_23, %get3A_24] : memref<2000x1xf32, #tpu.memory_space<vmem>>, vector<2000x1xf32>
      %convert_element_type3A_26 = arith.sitofp %arg1 : i32 to f32
      %gt3A = vector.broadcast %convert_element_type3A_26 : f32 to vector<2000x1xf32>
      %gt3A_27 = arith.cmpf ogt, %get3A_25, %gt3A : vector<2000x1xf32>
      %jit3A = arith.constant -1.000000e+30 : f32
      %broadcast_in_dim3A = vector.broadcast %jit3A : f32 to vector<2000x1xf32>
      %select_n3A_28 = arith.select %gt3A_27, %select_n3A, %broadcast_in_dim3A : vector<2000x1xi1>, vector<2000x1xf32>
      %get3A_29 = arith.constant 0 : index
      %get3A_30 = arith.constant 0 : index
      %get3A_31 = vector.load %arg7[%get3A_29, %get3A_30] : memref<2000x1xf32, #tpu.memory_space<vmem>>, vector<2000x1xf32>
      %max3A = arith.maximumf %get3A_31, %select_n3A_28 : vector<2000x1xf32>
      %sub3A = arith.subf %get3A_31, %max3A : vector<2000x1xf32>
      %exp3A = math.exp %sub3A : vector<2000x1xf32>
      %sub3A_32 = arith.subf %select_n3A_28, %max3A : vector<2000x1xf32>
      %exp3A_33 = math.exp %sub3A_32 : vector<2000x1xf32>
      %jit3A_34 = arith.constant 0.000000e+00 : f32
      %broadcast_in_dim3A_35 = vector.broadcast %jit3A_34 : f32 to vector<2000x1xf32>
      %select_n3A_36 = arith.select %gt3A_27, %exp3A_33, %broadcast_in_dim3A_35 : vector<2000x1xi1>, vector<2000x1xf32>
      %get3A_37 = arith.constant 0 : index
      %get3A_38 = arith.constant 0 : index
      %get3A_39 = vector.load %arg8[%get3A_37, %get3A_38] : memref<2000x1xf32, #tpu.memory_space<vmem>>, vector<2000x1xf32>
      %mul3A_40 = arith.mulf %get3A_39, %exp3A : vector<2000x1xf32>
      %add3A_41 = arith.addf %mul3A_40, %select_n3A_36 : vector<2000x1xf32>
      %swap3A = arith.constant 0 : index
      %swap3A_42 = arith.constant 0 : index
      %swap3A_43 = vector.load %arg8[%swap3A, %swap3A_42] : memref<2000x1xf32, #tpu.memory_space<vmem>>, vector<2000x1xf32>
      tpu.vector_store %arg8[%swap3A, %swap3A_42], %add3A_41 {strides = array<i32>} : memref<2000x1xf32, #tpu.memory_space<vmem>>, vector<2000x1xf32>,
      %get3A_44 = arith.constant 0 : index
      %get3A_45 = arith.constant 0 : index
      %get3A_46 = vector.load %arg9[%get3A_44, %get3A_45] : memref<2000x128xf32, #tpu.memory_space<vmem>>, vector<2000x128xf32>
      %mul3A_47 = vector.broadcast %exp3A : vector<2000x1xf32> to vector<2000x128xf32>
      %mul3A_48 = arith.mulf %get3A_46, %mul3A_47 : vector<2000x128xf32>
      %slice3A_49 = vector.extract_strided_slice %get3A_15 {offsets = [0, 0], sizes = [2000, 128], strides = [1, 1]} : vector<2000x256xf32> to vector<2000x128xf32>
      %mul3A_50 = vector.broadcast %select_n3A_36 : vector<2000x1xf32> to vector<2000x128xf32>
      %mul3A_51 = arith.mulf %mul3A_50, %slice3A_49 : vector<2000x128xf32>
      %add3A_52 = arith.addf %mul3A_48, %mul3A_51 : vector<2000x128xf32>
      %swap3A_53 = arith.constant 0 : index
      %swap3A_54 = arith.constant 0 : index
      %swap3A_55 = vector.load %arg9[%swap3A_53, %swap3A_54] : memref<2000x128xf32, #tpu.memory_space<vmem>>, vector<2000x128xf32>
      tpu.vector_store %arg9[%swap3A_53, %swap3A_54], %add3A_52 {strides = array<i32>} : memref<2000x128xf32, #tpu.memory_space<vmem>>, vector<2000x128xf32>,
      %swap3A_56 = arith.constant 0 : index
      %swap3A_57 = arith.constant 0 : index
      %swap3A_58 = vector.load %arg7[%swap3A_56, %swap3A_57] : memref<2000x1xf32, #tpu.memory_space<vmem>>, vector<2000x1xf32>
      tpu.vector_store %arg7[%swap3A_56, %swap3A_57], %max3A {strides = array<i32>} : memref<2000x1xf32, #tpu.memory_space<vmem>>, vector<2000x1xf32>,
    } else {
    }
    %eq3A_6 = arith.constant 79 : i32
    %eq3A_7 = arith.cmpi eq, %arg1, %eq3A_6 : i32
    %convert_element_type3A_8 = arith.extui %eq3A_7 : i1 to i32
    %cond3A_9 = arith.constant 0 : i32
    %cond3A_10 = arith.cmpi ne, %convert_element_type3A_8, %cond3A_9 : i32
    scf.if %cond3A_10 {
      %get3A_11 = arith.constant 0 : index
      %get3A_12 = arith.constant 0 : index
      %get3A_13 = vector.load %arg9[%get3A_11, %get3A_12] : memref<2000x128xf32, #tpu.memory_space<vmem>>, vector<2000x128xf32>
      %get3A_14 = arith.constant 0 : index
      %get3A_15 = arith.constant 0 : index
      %get3A_16 = vector.load %arg8[%get3A_14, %get3A_15] : memref<2000x1xf32, #tpu.memory_space<vmem>>, vector<2000x1xf32>
      %add3A = arith.constant 9.99999996E-13 : f32
      %add3A_17 = vector.broadcast %add3A : f32 to vector<2000x1xf32>
      %add3A_18 = arith.addf %get3A_16, %add3A_17 : vector<2000x1xf32>
      %div3A = vector.broadcast %add3A_18 : vector<2000x1xf32> to vector<2000x128xf32>
      %div3A_19 = arith.divf %get3A_13, %div3A : vector<2000x128xf32>
      %swap3A = arith.constant 0 : index
      %swap3A_20 = arith.constant 0 : index
      %swap3A_21 = vector.load %arg6[%swap3A, %swap3A_20] : memref<2000x128xf32, #tpu.memory_space<vmem>>, vector<2000x128xf32>
      tpu.vector_store %arg6[%swap3A, %swap3A_20], %div3A_19 {strides = array<i32>} : memref<2000x128xf32, #tpu.memory_space<vmem>>, vector<2000x128xf32>,
    } else {
    }
    return
  }
  func.func @transform_0(%arg0: i32, %arg1: i32, %arg2: memref<1xi32, #tpu.memory_space<smem>>) -> (i32, i32, i32) {
    %get3A = arith.constant 0 : index
    %get3A_0 = memref.load %arg2[%get3A] : memref<1xi32, #tpu.memory_space<smem>>
    %sub3A = arith.constant 1 : i32
    %sub3A_1 = arith.subi %get3A_0, %sub3A : i32
    %min3A = arith.minsi %arg1, %sub3A_1 : i32
    %c0_i32 = arith.constant 0 : i32
    %c0_i32_2 = arith.constant 0 : i32
    return %min3A, %arg0, %c0_i32 : i32, i32, i32
  }
  func.func @transform_1(%arg0: i32, %arg1: i32, %arg2: memref<1xi32, #tpu.memory_space<smem>>) -> (i32, i32) {
    %c0_i32 = arith.constant 0 : i32
    %c0_i32_0 = arith.constant 0 : i32
    return %arg0, %c0_i32 : i32, i32
  }
  func.func @transform_2(%arg0: i32, %arg1: i32, %arg2: memref<1xi32, #tpu.memory_space<smem>>) -> (i32, i32) {
    %c0_i32 = arith.constant 0 : i32
    %c0_i32_0 = arith.constant 0 : i32
    return %arg0, %c0_i32 : i32, i32
  }
  func.func @transform_3(%arg0: i32, %arg1: i32, %arg2: memref<1xi32, #tpu.memory_space<smem>>) -> (i32, i32) {
    %c0_i32 = arith.constant 0 : i32
    %c0_i32_0 = arith.constant 0 : i32
    return %arg0, %c0_i32 : i32, i32
  }
}

</mosaic_0001>

<sc_bundles>
// kernel: gather_offload_async_start.1
scs
__scs_entry_jumppad:
0x0: {  	(pc) =	sbr.rel $0x88, $3  }
0x1: {  	(tag) =	ssettag $0x0;
	lr =	simm.s32 $0x1  }
0x2: {  	[smem:$0x3F93] =	sst lr;
	_ =	strace $0xD0000000  }
0x3: {  	_ = 	snop  }
0x4: {  	_ = 	snop  }
0x5: {  	_ = 	snop  }
0x6: {  	_ = 	snop  }
0x7: {  	_ = 	snop  }
__scs_overlays_trampoline_lowered:
0x8: {  	[smem:$0x3FA2] =	sst s0  }
0x9: {  	[smem:$0x3FA3] =	sst s1  }
0xa: {  	[smem:$0x3FA4] =	sst s2  }
0xb: {  	[smem:$0x3FA5] =	sst s3  }
0xc: {  	[smem:$0x3FA6] =	sst s4  }
0xd: {  	[smem:$0x3FA7] =	sst s5  }
0xe: {  	[smem:$0x3FA8] =	sst s6  }
0xf: {  	[smem:$0x3FA9] =	sst s7  }
0x10: {  	[smem:$0x3FAA] =	sst s8  }
0x11: {  	[smem:$0x3FAB] =	sst s9;
	s0 =	simm.s32 @!p0 $0x0  }
0x12: {  	s1 =	sld [smem:$0x3F91];
	s0 =	simm.s32 @p0 $0x1  }
0x13: {  	[smem:$0x3FAC] =	sst s0;
	s0 =	simm.s32 @!p1 $0x0  }
0x14: {  	s2 =	sld [smem:$0x3F90];
	s0 =	simm.s32 @p1 $0x1  }
0x15: {  	[smem:$0x3FAD] =	sst s0;
	s0 =	simm.s32 @!p2 $0x0  }
0x16: {  	s3 =	sld [smem:$0x3FDB];
	s0 =	simm.s32 @p2 $0x1  }
0x17: {  	s4 =	simm.s32 $0x1BF5;
	[smem:$0x3FAF] =	sst s0  }
0x18: {  	s0 =	sld [smem:$0x3F92];
	_ =	swait.ge [sflag:s4], $0x0  }
0x19: {  	s7 =	sld [smem:$0x3F93]  }
0x1a: {  	s8 =	sadd.s32 $0xFFFFE003, lr  }
0x1b: {  	s9 =	sadd.s32 $0xFFFFFEF7, lr;
	s5 =	simm.s32 $0xFFFFFFFF;
	p2 =	slt.u32 s8, $0xFFFFF086  }
0x1c: {  	p1 =	slt.u32 s9, $0xF7A;
	s5 =	simm.s32 @!p2 $0x0  }
0x1d: {  	s5 =	simm.s32 @p1 $0x1;
	p0 =	seq.s32 s7, s2  }
0x1e: {  	s7 =	smul.u32 @!p0 $0xF7A, s2;
	p2 =	seq.s32 @!p0 s5, $0x0  }
0x1f: {  	s9 =	smul.u32 $0xF7A, s1;
	s8 =	simm.s32 @!p0 $0x1BF5;
	p2 =	por !p2, p0  }
0x20: {  	[sflag:s8] =	ssyncset.s32 @!p0 $0xFFFFF086;
	s6 =	sadd.s32 @!p0 s3, s7;
	s7 =	simm.s32 @!p0 $0x108  }
0x21: {  	s3 =	sadd.s32 s3, s9;
	s6 =	sadd.s32 @!p0 $0x88, s6;
	s7 =	simm.s32 @p2 $0x1082  }
0x22: {  	[simem:s7], [sflag:s8] =	dma.local @!p0 [hbm:s6], $0xF7A  }
0x23: {  	s9 =	sor.u32 $0xD0000000, s2;
	s6 =	simm.s32 $0x108;
	_ =	swait.ge @!p0 [sflag:s8], $0x0  }
0x24: {  	s3 =	sadd.s32 $0x88, s3;
	s6 =	simm.s32 @!p1 $0x1082;
	[sflag:s4] =	ssyncset.s32 $0xFFFFF086  }
0x25: {  	[simem:s6], [sflag:s4] =	dma.local [hbm:s3], $0xF7A  }
0x26: {  	[smem:$0x3F93] =	sst s1;
	(tag) =	ssettag s2;
	_ =	strace s9  }
0x27: {  	s1 =	sld [smem:$0x3FA3]  }
0x28: {  	s2 =	sld [smem:$0x3FA4]  }
0x29: {  	s4 =	sld [smem:$0x3FA6]  }
0x2a: {  	p0 =	seq.s32 s5, $0x0;
	s5 =	sld [smem:$0x3FA7]  }
0x2b: {  	s6 =	sld [smem:$0x3FA8]  }
0x2c: {  	s7 =	sld [smem:$0x3FA9]  }
0x2d: {  	s3 =	simm.s32 $0x108;
	s8 =	sld [smem:$0x3FAA]  }
0x2e: {  	s3 =	simm.s32 @!p0 $0x1082;
	s9 =	sld [smem:$0x3FAB]  }
0x2f: {  	lr =	sadd.s32 s0, s3;
	s0 =	sld [smem:$0x3FA2]  }
0x30: {  	s3 =	sld [smem:$0x3FA5]  }
0x31: {  	[smem:$0x3FAE] =	sst s10  }
0x32: {  	s10 =	sld [smem:$0x3FAC];
	_ =	sdelay $0x3  }
0x33: {  	p0 =	seq.s32 s10, $0x1;
	s10 =	sld [smem:$0x3FAE];
	_ =	sdelay $0x3  }
0x34: {  	[smem:$0x3FAE] =	sst s10  }
0x35: {  	s10 =	sld [smem:$0x3FAD];
	_ =	sdelay $0x3  }
0x36: {  	p1 =	seq.s32 s10, $0x1;
	s10 =	sld [smem:$0x3FAE];
	_ =	sdelay $0x3  }
0x37: {  	[smem:$0x3FAE] =	sst s10  }
0x38: {  	s10 =	sld [smem:$0x3FAF]  }
0x39: {  	_ = 	snop;
	(pc) =	sbr.ind lr, $3  }
0x3a: {  	_ = 	snop  }
0x3b: {  	_ = 	snop  }
0x3c: {  	p2 =	seq.s32 s10, $0x1;
	s10 =	sld [smem:$0x3FAE]  }
0x3d: {  	_ =	shalt  }
0x3e: {  	_ =	shalt  }
0x3f: {  	_ =	shalt  }
0x40: {  	_ =	shalt  }
0x41: {  	_ =	shalt  }
0x42: {  	_ =	shalt  }
0x43: {  	_ =	shalt  }
0x44: {  	_ =	shalt  }
0x45: {  	_ =	shalt  }
0x46: {  	_ =	shalt  }
0x47: {  	_ =	shalt  }
0x48: {  	_ =	shalt  }
0x49: {  	_ =	shalt  }
0x4a: {  	_ =	shalt  }
0x4b: {  	_ =	shalt  }
0x4c: {  	_ =	shalt  }
0x4d: {  	_ =	shalt  }
0x4e: {  	_ =	shalt  }
0x4f: {  	_ =	shalt  }
0x50: {  	_ =	shalt  }
0x51: {  	_ =	shalt  }
0x52: {  	_ =	shalt  }
0x53: {  	_ =	shalt  }
0x54: {  	_ =	shalt  }
0x55: {  	_ =	shalt  }
0x56: {  	_ =	shalt  }
0x57: {  	_ =	shalt  }
0x58: {  	_ =	shalt  }
0x59: {  	_ =	shalt  }
0x5a: {  	_ =	shalt  }
0x5b: {  	_ =	shalt  }
0x5c: {  	_ =	shalt  }
0x5d: {  	_ =	shalt  }
0x5e: {  	_ =	shalt  }
0x5f: {  	_ =	shalt  }
0x60: {  	_ =	shalt  }
0x61: {  	_ =	shalt  }
0x62: {  	_ =	shalt  }
0x63: {  	_ =	shalt  }
0x64: {  	_ =	shalt  }
0x65: {  	_ =	shalt  }
0x66: {  	_ =	shalt  }
0x67: {  	_ =	shalt  }
0x68: {  	_ =	shalt  }
0x69: {  	_ =	shalt  }
0x6a: {  	_ =	shalt  }
0x6b: {  	_ =	shalt  }
0x6c: {  	_ =	shalt  }
0x6d: {  	_ =	shalt  }
0x6e: {  	_ =	shalt  }
0x6f: {  	_ =	shalt  }
0x70: {  	_ =	shalt  }
0x71: {  	_ =	shalt  }
0x72: {  	_ =	shalt  }
0x73: {  	_ =	shalt  }
0x74: {  	_ =	shalt  }
0x75: {  	_ =	shalt  }
0x76: {  	_ =	shalt  }
0x77: {  	_ =	shalt  }
0x78: {  	_ =	shalt  }
0x79: {  	_ =	shalt  }
0x7a: {  	_ =	shalt  }
0x7b: {  	_ =	shalt  }
0x7c: {  	_ =	shalt  }
0x7d: {  	_ =	shalt  }
0x7e: {  	_ =	shalt  }
0x7f: {  	_ =	shalt  }
0x80: {  	_ =	shalt  }
0x81: {  	_ =	shalt  }
0x82: {  	_ =	shalt  }
0x83: {  	_ =	shalt  }
0x84: {  	_ =	shalt  }
0x85: {  	_ =	shalt  }
0x86: {  	_ =	shalt  }
0x87: {  	_ =	shalt  }
.Lfunc_end0:
.L_simem_size_0:
called_computation.1_lowered:
.L_overlay_start_0:
0x88: {  	s0 =	sld [smem:$0x3FD9]  }
0x89: {  	s1 =	sld [smem:$0x3FFE];
	_ =	sdelay $0x3  }
0x8a: {  	s0 =	sadd.s32 s1, s0  }
0x8b: {  	[smem:$0x3FBA] =	sst s0  }
0x8c: {  	_ = 	snop  }
0x8d: {  	s0 =	sld [smem:$0x3FC7]  }
0x8e: {  	s16 =	sld [smem:$0x3FD0];
	(tm) =	ssettm $0x1  }
0x8f: {  	s2 =	sld [smem:$0x3FFB];
	_ =	sdelay $0x3  }
0x90: {  	_ =	strace s2  }
0x91: {  	s2 =	sld [smem:$0x3FFC];
	_ =	sdelay $0x3  }
0x92: {  	_ =	strace s2  }
0x93: {  	s2 =	sld [smem:$0x3FFD];
	_ =	sdelay $0x3  }
0x94: {  	_ =	strace s2  }
0x95: {  	_ =	strace $0x8FFFFFFF  }
0x96: {  	s17 =	sld [smem:$0x3FDB];
	_ =	sdelay $0x1  }
0x97: {  	s3 =	simm.s32 $_scs_section_size  }
0x98: {  	s4 =	simm.s32 $_size__tile_overlayer_lowered;
	s5 =	simm.s32 $_tile_overlayer_lowered  }
0x99: {  	s20 =	simm.s32 $0x1BFF;
	s19 =	sshll.u32 s5, $0x1;
	s2 =	sadd.s32 s3, s17  }
0x9a: {  	s6 =	simm.s32 $0x0;
	s18 =	sshll.u32 s4, $0x1;
	s4 =	sadd.s32 s19, s2  }
0x9b: {  	[timem:s6], [sflag:s20] =	dma.local [hbm:s4], s18  }
0x9c: {  	_ =	swait.ge [sflag:s20], s18  }
0x9d: {  	s3 =	ssub.s32 $0x0, s18;
	[sflag:s20] =	ssyncset.done $0x0  }
0x9e: {  	[sflag:s20] =	ssyncadd.s32 s3;
	_ =	sdelay $0x1  }
0x9f: {  	s21 =	simm.s32 $0x1B8B  }
0xa0: {  	_ =	swait.ge [sflag:s21], $0x1  }
0xa1: {  	[sflag:s21] =	ssyncset.done $0x0  }
0xa2: {  	s23 =	simm.s32 $0x1B8E;
	s22 =	sld [smem:$0x3FFE];
	[sflag:s21] =	ssyncadd.s32 $0xFFFFFFFF  }
0xa3: {  	s24 =	simm.s32 $execute0_lowered;
	[smem:$0x3FD2] =	sst s23  }
0xa4: {  	s4 =	sshll.u32 s24, $0x1;
	_ =	strace $0x8000004F;
	[dreg:$0x1] =	wrdreg $0xFFFFFFFF  }
0xa5: {  	s25 =	simm.s32 $_size_execute0_lowered;
	s2 =	sadd.s32 s2, s4;
	[dreg:$0x0] =	wrdreg $0x0  }
0xa6: {  	s4 =	sshll.u32 s25, $0x1;
	[dreg:$0x2] =	wrdreg s2  }
0xa7: {  	[dreg:$0x3] =	wrdreg s4  }
0xa8: {  	[dreg:$0x4] =	wrdreg $0xC0  }
0xa9: {  	_ =	task [dreg:s6], $0x5FFFF  }
0xaa: {  	[dreg:$0x1] =	wrdreg $0xFFFFFFFF  }
0xab: {  	[dreg:$0x0] =	wrdreg $0x60  }
0xac: {  	[dreg:$0x2] =	wrdreg s0  }
0xad: {  	[dreg:$0x3] =	wrdreg s16  }
0xae: {  	[dreg:$0x4] =	wrdreg s22  }
0xaf: {  	[dreg:$0x5] =	wrdreg $0x9  }
0xb0: {  	_ =	task.clear_ibuf [dreg:s6], $0x6FFFF;
	_ =	strace $0x9000004F  }
0xb1: {  	s26 =	simm.s32 $0x9;
	_ =	strace $0x80000051  }
0xb2: {  	_ =	swait.ge [sflag:s26], $0x1  }
0xb3: {  	[sflag:s26] =	ssyncadd.s32 $0xFFFFFFFF  }
0xb4: {  	_ =	strace $0x90000051  }
0xb5: {  	_ =	sfence  }
0xb6: {  	s28 =	sld [smem:$0x0];
	_ =	sdelay $0x1  }
0xb7: {  	s29 =	srdreg.scid  }
0xb8: {  	s30 =	sshll.u32 s29, $0xD;
	s31 =	sshrl.u32 s29, $0x2  }
0xb9: {  	s1 =	sand.u32 $0x1, s29;
	s2 =	sand.u32 $0x4000, s30;
	s0 =	sadd.s32 s31, s28  }
0xba: {  	s1 =	sor.u32 s2, s1;
	s0 =	sshll.u32 s0, $0x11  }
0xbb: {  	s0 =	sor.u32 s0, s1  }
0xbc: {  	s0 =	sadd.s32 $0x8F2B, s0  }
0xbd: {  	[sflag:s0] =	ssyncadd.remote.s32 $0x1  }
0xbe: {  	_ =	sfence.sel $0xFFFF  }
0xbf: {  	[dreg:$0x0] =	wrdreg $0xFFFFFFFF;
	(pc) =	sbr.abs _section_cstart, $3  }
0xc0: {  	[dreg:$0x1] =	wrdreg $0xFFFFFFFF  }
0xc1: {  	_ =	task.clear_ibuf [dreg:s6], $0x2FFFF;
	_ =	strace $0x9FFFFFFF  }
0xc2: {  	(tm) =	ssettm $0x7FFFFFFF  }
0xc3: {  	_ =	shalt  }
tec
execute0_lowered:
.L_overlay_start_1:
0x0: {  	(tag) =	ssettag $0x1  }
0x1: {  	s2 =	rddreg [dreg:$0x0]  }
0x2: {  	s3 =	rddreg [dreg:$0x1]  }
0x3: {  	s8 =	rddreg [dreg:$0x2]  }
0x4: {  	s0 =	rddreg [dreg:$0x3];
	_ =	strace $0x80000050;
	s4 =	simm.s32 $0x1  }
0x5: {  	s1 =	stileid.u32;
	s7 =	simm.s32 $0x1;
	s9 =	simm.s32 $0x1  }
0x6: {  	s6 =	simm.s32 $0x2;
	s10 =	simm.s32 $0x3;
	s13 =	simm.s32 $0x0  }
.Ltmp0:
0x7: {  	s12 =	simm.s32 $0x0;
	p0 =	slt.u32 s1, $0xA;
	(pc) =	sbr.rel .LBB2_1-.Ltmp0, $4  }
0x8: {  	[sflag:s4] =	ssyncpa.u1 $0x0;
	s7 =	simm.s32 @!p0 $0x0;
	p0 =	sne.s32 s1, $0x9  }
0x9: {  	s5 =	smul.u32 $0x190, s1;
	[sflag:s6] =	ssyncpa.u1 $0x0;
	s9 =	simm.s32 @!p0 $0x0  }
0xa: {  	s8 =	sadd.s32 $0x5600, s8;
	[sflag:s10] =	ssyncpa.u1 $0x0;
	s7 =	sadd.s32 s9, s7  }
0xb: {  	vm0 =	vmmov $0xffff;
	s10 =	simm.s32 $0x0;
	s11 =	smov.u32 s5;
	s9 =	sadd.s32 $0x1, s7  }
.LBB2_4:
0xc: {  	v2 =	vnsel vm1, $0x0, v2  }
0xd: {  	vm1 =	vgt.s32 v0, $0x0;
	v2 =	vmin.u32 v2, $0x4E1FF  }
0xe: {  	v0 =	vnsel vm1, $0x0, v0  }
0xf: {  	v0 =	vmin.u32 v0, $0x4E1FF  }
0x10: {  	[tilespmem:s18], [sflag:$0x1] =	stream.indirect_vreg.gather [hbm4b:s2+s10], $0x1, v1, vm0, $0x4038;
	[tilespmem:$0x640] =	vst v63  }
0x11: {  	(ifvalue) =	ssetifvalue $0x7FFFFFFF  }
0x12: {  	[tilespmem:s15], [sflag:$0x1] =	stream.indirect_vreg.gather [hbm4b:s2+s10], $0x1, v2, vm0, $0x4038;
	[tilespmem:$0x640] =	vst v63  }
0x13: {  	s29 =	sadd.s32 $0x10, s15;
	(ifvalue) =	ssetifvalue $0x7FFFFFFF  }
0x14: {  	[tilespmem:s29], [sflag:$0x1] =	stream.indirect_vreg.gather [hbm4b:s2+s10], $0x1, v0, vm0, $0x4038;
	[tilespmem:$0x640] =	vst v63  }
0x15: {  	_ =	swait.ge [sflag:s4], $0x190  }
0x16: {  	s30 =	sshrl.u32 s13, $0x3;
	[sflag:s4] =	ssyncset.done $0x0  }
0x17: {  	s31 =	sand.u32 $0x7, s13;
	s15 =	sadd.s32 s8, s30;
	[sflag:s4] =	ssyncadd.s32 $0xFFFFFE70  }
0x18: {  	[hbm4b:s15+s31] =	stream.linear.scatter [tilespmem:s14], [sflag:$0x3], $0x190, $0x38;
	[tilespmem:$0x640] =	vst v63  }
.LBB2_5:
0x19: {  	s15 =	sadd.s32 $0x1900, s11  }
0x1a: {  	p1 =	sgt.s32 s15, $0x270F  }
0x1b: {  	s15 =	smov.u32 @p1 s5;
	p1 =	sne.s32 s12, s9  }
.Ltmp1:
0x1c: {  	p0 =	slt.u32 s12, $0x2;
	(pc) =	sbr.rel @!p1 .LBB2_6-.Ltmp1, $4  }
0x1d: {  	s14 =	simm.s32 @!p0 $0x3  }
0x1e: {  	_ =	swait.ge @!p0 [sflag:s14], $0x190  }
0x1f: {  	s16 =	sadd.s32 $0x1, s12;
	s13 =	smov.u32 s11;
	[sflag:s14] =	ssyncset.done @!p0 $0x0  }
0x20: {  	s12 =	smov.u32 s16;
	s11 =	smov.u32 s15;
	[sflag:s14] =	ssyncadd.s32 @!p0 $0xFFFFFE70  }
.LBB2_1:
0x21: {  	p0 =	sge.u32 s12, s7  }
0x22: {  	s14 =	sxor.u32 @!p0 $0x1, s12  }
0x23: {  	s14 =	smul.u32 @!p0 $0x640, s14  }
0x24: {  	s31 =	sadd.s32 $0xFFFFFFFF, s12;
	s15 =	sshrl.u32 @!p0 s11, $0x3  }
0x25: {  	s16 =	sand.u32 @!p0 $0x7, s11;
	s15 =	sadd.s32 @!p0 s3, s15;
	s14 =	sshra.s32 @!p0 s14, $0x2  }
0x26: {  	[tilespmem:s14], [sflag:$0x2] =	stream.linear.gather @!p0 [hbm4b:s15+s16], $0x190, $0x38;
	[tilespmem:$0x640] =	vst v63  }
0x27: {  	p0 =	sge.u32 s31, s7  }
.Ltmp2:
0x28: {  	_ = 	snop;
	(pc) =	sbr.rel @p0 .LBB2_5-.Ltmp2, $1  }
0x29: {  	_ =	sdelay $0x3  }
0x2a: {  	s14 =	sand.u32 $0x1, s12  }
0x2b: {  	_ =	swait.ge [sflag:s6], $0x190;
	p0 =	seq.s32 s14, $0x1;
	s14 =	simm.s32 $0x190  }
0x2c: {  	[sflag:s6] =	ssyncset.done $0x0;
	s14 =	simm.s32 @!p0 $0x0  }
0x2d: {  	[sflag:s6] =	ssyncadd.s32 $0xFFFFFE70;
	(ifvalue) =	ssetifvalue $0x7FFFFFFF;
	v0 =	vld.msk [tilespmem:s14+$0x0 ss:$0x1], $0xffff;
	_ =	sdelay $0x4  }
0x2e: {  	s15 =	sadd.s32 $0x10, s14;
	vm1 =	vgt.s32 v0, $0x0  }
0x2f: {  	v2 =	vld.msk [tilespmem:s15+$0x0 ss:$0x1], $0xffff;
	v1 =	vnsel vm1, $0x0, v0  }
0x30: {  	v1 =	vmin.u32 v1, $0x4E1FF;
	_ =	sdelay $0x2  }
0x31: {  	s17 =	simm.s32 $0x20;
	s14 =	sadd.s32 $0x320, s14;
	s16 =	sadd.s32 $0x10, s15  }
0x32: {  	s15 =	sadd.s32 $0x10, s14;
	s18 =	smov.u32 s14;
	v0 =	vld.msk [tilespmem:s16+$0x0 ss:$0x1], $0xffff;
	vm1 =	vgt.s32 v2, $0x0;
	(ifvalue) =	ssetifvalue $0x7FFFFFFF  }
.LBB2_3:
0x33: {  	[tilespmem:s18], [sflag:$0x1] =	stream.indirect_vreg.gather [hbm4b:s2+s10], $0x1, v1, vm0, $0x4038;
	[tilespmem:$0x640] =	vst v63  }
0x34: {  	s17 =	sadd.s32 $0x10, s17  }
0x35: {  	v2 =	vnsel vm1, $0x0, v2;
	p0 =	slt.u32 s17, $0x180  }
.Ltmp3:
0x36: {  	s18 =	smov.u32 s15;
	v1 =	vmin.u32 v2, $0x4E1FF;
	(pc) =	sbr.rel @p0 .LBB2_3-.Ltmp3, $3  }
0x37: {  	_ =	sdelay $0x1  }
0x38: {  	s16 =	sadd.s32 $0x10, s16  }
0x39: {  	vm1 =	vgt.s32 v0, $0x0;
	s15 =	sadd.s32 $0x10, s15;
	v2 =	vmov v0;
	(ifvalue) =	ssetifvalue $0x7FFFFFFF;
	v0 =	vld.msk [tilespmem:s16+$0x0 ss:$0x1], $0xffff  }
.Ltmp4:
0x3a: {  	_ = 	snop;
	(pc) =	sbr.rel .LBB2_4-.Ltmp4, $1  }
0x3b: {  	_ =	sdelay $0x3  }
.LBB2_6:
0x3c: {  	_ =	sfence.sel $0x180000  }
0x3d: {  	s2 =	simm.s32 $0x2;
	[bflag:$0x0] =	sbarrier.arrive $0xFFFF  }
0x3e: {  	s30 =	simm.s32 $0x3;
	[sflag:s2] =	ssyncpa.u1 $0x1  }
0x3f: {  	s31 =	simm.s32 $0x1;
	[sflag:s30] =	ssyncpa.u1 $0x1  }
0x40: {  	[sflag:s31] =	ssyncpa.u1 $0x1  }
0x41: {  	p0 =	sne.s32 s1, $0x0;
	_ =	strace $0x90000050  }
0x42: {  	s0 =	sadd.s32 @!p0 $0x100000, s0;
	[bflag:$0x2] =	sbarrier.arrive $0xFFFF  }
0x43: {  	[sflag:s0] =	ssyncadd.tile.s32 @!p0 $0x1;
	_ =	shalt  }
.Lfunc_end2:
_tile_overlayer_lowered:
.L_overlay_start_2:
0x44: {  	(tag) =	ssettag $0x2  }
0x45: {  	s0 =	rddreg [dreg:$0x0];
	s2 =	stileid.u32  }
0x46: {  	s1 =	rddreg [dreg:$0x1];
	p0 =	sne.s32 s2, $0x0  }
0x47: {  	s3 =	rddreg [dreg:$0x2];
	[bflag:$0x3] =	sbarrier.arrive $0xFFFF;
	s2 =	simm.s32 @!p0 $0x1C01  }
0x48: {  	[timem:s3], [sflag:s2] =	dma.local @!p0 [hbm:s0], s1  }
0x49: {  	s0 =	simm.s32 @!p0 $0x1  }
0x4a: {  	_ =	swait.ge @!p0 [sflag:s0], s1  }
0x4b: {  	s1 =	ssub.s32 @!p0 $0x0, s1;
	[sflag:s0] =	ssyncset.done @!p0 $0x0  }
0x4c: {  	[sflag:s0] =	ssyncadd.s32 @!p0 s1  }
0x4d: {  	[bflag:$0x3] =	sbarrier.arrive $0xFFFF  }
0x4e: {  	_ =	shalt  }

// kernel: gather_offload_async_start
scs
__scs_entry_jumppad:
0x0: {  	(pc) =	sbr.rel $0x88, $3  }
0x1: {  	(tag) =	ssettag $0x0;
	lr =	simm.s32 $0x1  }
0x2: {  	[smem:$0x3F93] =	sst lr;
	_ =	strace $0xD0000000  }
0x3: {  	_ = 	snop  }
0x4: {  	_ = 	snop  }
0x5: {  	_ = 	snop  }
0x6: {  	_ = 	snop  }
0x7: {  	_ = 	snop  }
__scs_overlays_trampoline_lowered:
0x8: {  	[smem:$0x3FA2] =	sst s0  }
0x9: {  	[smem:$0x3FA3] =	sst s1  }
0xa: {  	[smem:$0x3FA4] =	sst s2  }
0xb: {  	[smem:$0x3FA5] =	sst s3  }
0xc: {  	[smem:$0x3FA6] =	sst s4  }
0xd: {  	[smem:$0x3FA7] =	sst s5  }
0xe: {  	[smem:$0x3FA8] =	sst s6  }
0xf: {  	[smem:$0x3FA9] =	sst s7  }
0x10: {  	[smem:$0x3FAA] =	sst s8  }
0x11: {  	[smem:$0x3FAB] =	sst s9;
	s0 =	simm.s32 @!p0 $0x0  }
0x12: {  	s1 =	sld [smem:$0x3F91];
	s0 =	simm.s32 @p0 $0x1  }
0x13: {  	[smem:$0x3FAC] =	sst s0;
	s0 =	simm.s32 @!p1 $0x0  }
0x14: {  	s2 =	sld [smem:$0x3F90];
	s0 =	simm.s32 @p1 $0x1  }
0x15: {  	[smem:$0x3FAD] =	sst s0;
	s0 =	simm.s32 @!p2 $0x0  }
0x16: {  	s3 =	sld [smem:$0x3FDB];
	s0 =	simm.s32 @p2 $0x1  }
0x17: {  	s4 =	simm.s32 $0x1BF5;
	[smem:$0x3FAF] =	sst s0  }
0x18: {  	s0 =	sld [smem:$0x3F92];
	_ =	swait.ge [sflag:s4], $0x0  }
0x19: {  	s7 =	sld [smem:$0x3F93]  }
0x1a: {  	s8 =	sadd.s32 $0xFFFFE003, lr  }
0x1b: {  	s9 =	sadd.s32 $0xFFFFFEF7, lr;
	s5 =	simm.s32 $0xFFFFFFFF;
	p2 =	slt.u32 s8, $0xFFFFF086  }
0x1c: {  	p1 =	slt.u32 s9, $0xF7A;
	s5 =	simm.s32 @!p2 $0x0  }
0x1d: {  	s5 =	simm.s32 @p1 $0x1;
	p0 =	seq.s32 s7, s2  }
0x1e: {  	s7 =	smul.u32 @!p0 $0xF7A, s2;
	p2 =	seq.s32 @!p0 s5, $0x0  }
0x1f: {  	s9 =	smul.u32 $0xF7A, s1;
	s8 =	simm.s32 @!p0 $0x1BF5;
	p2 =	por !p2, p0  }
0x20: {  	[sflag:s8] =	ssyncset.s32 @!p0 $0xFFFFF086;
	s6 =	sadd.s32 @!p0 s3, s7;
	s7 =	simm.s32 @!p0 $0x108  }
0x21: {  	s3 =	sadd.s32 s3, s9;
	s6 =	sadd.s32 @!p0 $0x88, s6;
	s7 =	simm.s32 @p2 $0x1082  }
0x22: {  	[simem:s7], [sflag:s8] =	dma.local @!p0 [hbm:s6], $0xF7A  }
0x23: {  	s9 =	sor.u32 $0xD0000000, s2;
	s6 =	simm.s32 $0x108;
	_ =	swait.ge @!p0 [sflag:s8], $0x0  }
0x24: {  	s3 =	sadd.s32 $0x88, s3;
	s6 =	simm.s32 @!p1 $0x1082;
	[sflag:s4] =	ssyncset.s32 $0xFFFFF086  }
0x25: {  	[simem:s6], [sflag:s4] =	dma.local [hbm:s3], $0xF7A  }
0x26: {  	[smem:$0x3F93] =	sst s1;
	(tag) =	ssettag s2;
	_ =	strace s9  }
0x27: {  	s1 =	sld [smem:$0x3FA3]  }
0x28: {  	s2 =	sld [smem:$0x3FA4]  }
0x29: {  	s4 =	sld [smem:$0x3FA6]  }
0x2a: {  	p0 =	seq.s32 s5, $0x0;
	s5 =	sld [smem:$0x3FA7]  }
0x2b: {  	s6 =	sld [smem:$0x3FA8]  }
0x2c: {  	s7 =	sld [smem:$0x3FA9]  }
0x2d: {  	s3 =	simm.s32 $0x108;
	s8 =	sld [smem:$0x3FAA]  }
0x2e: {  	s3 =	simm.s32 @!p0 $0x1082;
	s9 =	sld [smem:$0x3FAB]  }
0x2f: {  	lr =	sadd.s32 s0, s3;
	s0 =	sld [smem:$0x3FA2]  }
0x30: {  	s3 =	sld [smem:$0x3FA5]  }
0x31: {  	[smem:$0x3FAE] =	sst s10  }
0x32: {  	s10 =	sld [smem:$0x3FAC];
	_ =	sdelay $0x3  }
0x33: {  	p0 =	seq.s32 s10, $0x1;
	s10 =	sld [smem:$0x3FAE];
	_ =	sdelay $0x3  }
0x34: {  	[smem:$0x3FAE] =	sst s10  }
0x35: {  	s10 =	sld [smem:$0x3FAD];
	_ =	sdelay $0x3  }
0x36: {  	p1 =	seq.s32 s10, $0x1;
	s10 =	sld [smem:$0x3FAE];
	_ =	sdelay $0x3  }
0x37: {  	[smem:$0x3FAE] =	sst s10  }
0x38: {  	s10 =	sld [smem:$0x3FAF]  }
0x39: {  	_ = 	snop;
	(pc) =	sbr.ind lr, $3  }
0x3a: {  	_ = 	snop  }
0x3b: {  	_ = 	snop  }
0x3c: {  	p2 =	seq.s32 s10, $0x1;
	s10 =	sld [smem:$0x3FAE]  }
0x3d: {  	_ =	shalt  }
0x3e: {  	_ =	shalt  }
0x3f: {  	_ =	shalt  }
0x40: {  	_ =	shalt  }
0x41: {  	_ =	shalt  }
0x42: {  	_ =	shalt  }
0x43: {  	_ =	shalt  }
0x44: {  	_ =	shalt  }
0x45: {  	_ =	shalt  }
0x46: {  	_ =	shalt  }
0x47: {  	_ =	shalt  }
0x48: {  	_ =	shalt  }
0x49: {  	_ =	shalt  }
0x4a: {  	_ =	shalt  }
0x4b: {  	_ =	shalt  }
0x4c: {  	_ =	shalt  }
0x4d: {  	_ =	shalt  }
0x4e: {  	_ =	shalt  }
0x4f: {  	_ =	shalt  }
0x50: {  	_ =	shalt  }
0x51: {  	_ =	shalt  }
0x52: {  	_ =	shalt  }
0x53: {  	_ =	shalt  }
0x54: {  	_ =	shalt  }
0x55: {  	_ =	shalt  }
0x56: {  	_ =	shalt  }
0x57: {  	_ =	shalt  }
0x58: {  	_ =	shalt  }
0x59: {  	_ =	shalt  }
0x5a: {  	_ =	shalt  }
0x5b: {  	_ =	shalt  }
0x5c: {  	_ =	shalt  }
0x5d: {  	_ =	shalt  }
0x5e: {  	_ =	shalt  }
0x5f: {  	_ =	shalt  }
0x60: {  	_ =	shalt  }
0x61: {  	_ =	shalt  }
0x62: {  	_ =	shalt  }
0x63: {  	_ =	shalt  }
0x64: {  	_ =	shalt  }
0x65: {  	_ =	shalt  }
0x66: {  	_ =	shalt  }
0x67: {  	_ =	shalt  }
0x68: {  	_ =	shalt  }
0x69: {  	_ =	shalt  }
0x6a: {  	_ =	shalt  }
0x6b: {  	_ =	shalt  }
0x6c: {  	_ =	shalt  }
0x6d: {  	_ =	shalt  }
0x6e: {  	_ =	shalt  }
0x6f: {  	_ =	shalt  }
0x70: {  	_ =	shalt  }
0x71: {  	_ =	shalt  }
0x72: {  	_ =	shalt  }
0x73: {  	_ =	shalt  }
0x74: {  	_ =	shalt  }
0x75: {  	_ =	shalt  }
0x76: {  	_ =	shalt  }
0x77: {  	_ =	shalt  }
0x78: {  	_ =	shalt  }
0x79: {  	_ =	shalt  }
0x7a: {  	_ =	shalt  }
0x7b: {  	_ =	shalt  }
0x7c: {  	_ =	shalt  }
0x7d: {  	_ =	shalt  }
0x7e: {  	_ =	shalt  }
0x7f: {  	_ =	shalt  }
0x80: {  	_ =	shalt  }
0x81: {  	_ =	shalt  }
0x82: {  	_ =	shalt  }
0x83: {  	_ =	shalt  }
0x84: {  	_ =	shalt  }
0x85: {  	_ =	shalt  }
0x86: {  	_ =	shalt  }
0x87: {  	_ =	shalt  }
.Lfunc_end0:
.L_simem_size_0:
called_computation_lowered:
.L_overlay_start_0:
0x88: {  	s0 =	sld [smem:$0x3FD9]  }
0x89: {  	s1 =	sld [smem:$0x3FFE];
	_ =	sdelay $0x3  }
0x8a: {  	s0 =	sadd.s32 s1, s0  }
0x8b: {  	[smem:$0x3FBA] =	sst s0  }
0x8c: {  	_ = 	snop  }
0x8d: {  	s0 =	sld [smem:$0x3FC7];
	(tm) =	ssettm $0x1  }
0x8e: {  	s16 =	sld [smem:$0x3FFB];
	_ =	sdelay $0x3  }
0x8f: {  	_ =	strace s16  }
0x90: {  	s1 =	sld [smem:$0x3FFC];
	_ =	sdelay $0x3  }
0x91: {  	_ =	strace s1  }
0x92: {  	s1 =	sld [smem:$0x3FFD];
	_ =	sdelay $0x3  }
0x93: {  	_ =	strace s1  }
0x94: {  	_ =	strace $0x8FFFFFFF  }
0x95: {  	s17 =	sld [smem:$0x3FDB];
	_ =	sdelay $0x1  }
0x96: {  	s2 =	simm.s32 $_scs_section_size  }
0x97: {  	s3 =	simm.s32 $_size__tile_overlayer_lowered;
	s4 =	simm.s32 $_tile_overlayer_lowered  }
0x98: {  	s20 =	simm.s32 $0x1BFF;
	s19 =	sshll.u32 s4, $0x1;
	s1 =	sadd.s32 s2, s17  }
0x99: {  	s5 =	simm.s32 $0x0;
	s18 =	sshll.u32 s3, $0x1;
	s3 =	sadd.s32 s19, s1  }
0x9a: {  	[timem:s5], [sflag:s20] =	dma.local [hbm:s3], s18  }
0x9b: {  	_ =	swait.ge [sflag:s20], s18  }
0x9c: {  	s2 =	ssub.s32 $0x0, s18;
	[sflag:s20] =	ssyncset.done $0x0  }
0x9d: {  	[sflag:s20] =	ssyncadd.s32 s2;
	_ =	sdelay $0x1  }
0x9e: {  	s21 =	simm.s32 $0x1B8B  }
0x9f: {  	_ =	swait.ge [sflag:s21], $0x1  }
0xa0: {  	[sflag:s21] =	ssyncset.done $0x0  }
0xa1: {  	s23 =	simm.s32 $0x1B8E;
	s22 =	sld [smem:$0x3FFE];
	[sflag:s21] =	ssyncadd.s32 $0xFFFFFFFF  }
0xa2: {  	s24 =	simm.s32 $execute0_lowered;
	[smem:$0x3FD2] =	sst s23  }
0xa3: {  	s3 =	sshll.u32 s24, $0x1;
	_ =	strace $0x8000004C;
	[dreg:$0x1] =	wrdreg $0xFFFFFFFF  }
0xa4: {  	s25 =	simm.s32 $_size_execute0_lowered;
	s1 =	sadd.s32 s1, s3;
	[dreg:$0x0] =	wrdreg $0x0  }
0xa5: {  	s3 =	sshll.u32 s25, $0x1;
	[dreg:$0x2] =	wrdreg s1  }
0xa6: {  	[dreg:$0x3] =	wrdreg s3  }
0xa7: {  	[dreg:$0x4] =	wrdreg $0xC0  }
0xa8: {  	_ =	task [dreg:s5], $0x5FFFF  }
0xa9: {  	[dreg:$0x1] =	wrdreg $0xFFFFFFFF  }
0xaa: {  	[dreg:$0x0] =	wrdreg $0x60  }
0xab: {  	[dreg:$0x2] =	wrdreg s0  }
0xac: {  	[dreg:$0x3] =	wrdreg s22  }
0xad: {  	[dreg:$0x4] =	wrdreg $0x9  }
0xae: {  	_ =	task.clear_ibuf [dreg:s5], $0x5FFFF;
	_ =	strace $0x9000004C  }
0xaf: {  	s26 =	simm.s32 $0x9;
	_ =	strace $0x8000004E  }
0xb0: {  	_ =	swait.ge [sflag:s26], $0x1  }
0xb1: {  	[sflag:s26] =	ssyncadd.s32 $0xFFFFFFFF  }
0xb2: {  	_ =	strace $0x9000004E  }
0xb3: {  	_ =	sfence  }
0xb4: {  	s28 =	sld [smem:$0x0];
	_ =	sdelay $0x1  }
0xb5: {  	s29 =	srdreg.scid  }
0xb6: {  	s30 =	sshll.u32 s29, $0xD;
	s31 =	sshrl.u32 s29, $0x2  }
0xb7: {  	s2 =	sand.u32 $0x4000, s30;
	s1 =	sand.u32 $0x1, s29;
	s0 =	sadd.s32 s31, s28  }
0xb8: {  	s1 =	sor.u32 s2, s1;
	s0 =	sshll.u32 s0, $0x11  }
0xb9: {  	s0 =	sor.u32 s0, s1  }
0xba: {  	s0 =	sadd.s32 $0x8F2B, s0  }
0xbb: {  	[sflag:s0] =	ssyncadd.remote.s32 $0x1  }
0xbc: {  	_ =	sfence.sel $0xFFFF  }
0xbd: {  	[dreg:$0x0] =	wrdreg $0xFFFFFFFF;
	(pc) =	sbr.abs _section_cstart, $3  }
0xbe: {  	[dreg:$0x1] =	wrdreg $0xFFFFFFFF  }
0xbf: {  	_ =	task.clear_ibuf [dreg:s5], $0x2FFFF;
	_ =	strace $0x9FFFFFFF  }
0xc0: {  	(tm) =	ssettm $0x7FFFFFFF  }
0xc1: {  	_ =	shalt  }
tec
execute0_lowered:
.L_overlay_start_1:
0x0: {  	(tag) =	ssettag $0x1  }
0x1: {  	s2 =	rddreg [dreg:$0x0]  }
0x2: {  	s8 =	rddreg [dreg:$0x1]  }
0x3: {  	s0 =	rddreg [dreg:$0x2]  }
0x4: {  	_ =	strace $0x8000004D;
	s4 =	simm.s32 $0x1;
	s1 =	stileid.u32  }
0x5: {  	s7 =	simm.s32 $0x1;
	s9 =	simm.s32 $0x1;
	s6 =	simm.s32 $0x2  }
0x6: {  	s10 =	simm.s32 $0x3;
	s13 =	simm.s32 $0x0;
	s12 =	simm.s32 $0x0  }
.Ltmp0:
0x7: {  	s3 =	sadd.s32 $0xC58600, s8;
	p0 =	slt.u32 s1, $0xA;
	(pc) =	sbr.rel .LBB2_1-.Ltmp0, $4  }
0x8: {  	[sflag:s4] =	ssyncpa.u1 $0x0;
	s7 =	simm.s32 @!p0 $0x0;
	p0 =	sne.s32 s1, $0x9  }
0x9: {  	s5 =	smul.u32 $0x190, s1;
	[sflag:s6] =	ssyncpa.u1 $0x0;
	s9 =	simm.s32 @!p0 $0x0  }
0xa: {  	s8 =	sadd.s32 $0xC58C00, s8;
	[sflag:s10] =	ssyncpa.u1 $0x0;
	s7 =	sadd.s32 s9, s7  }
0xb: {  	vm0 =	vmmov $0xffff;
	s10 =	simm.s32 $0x0;
	s11 =	smov.u32 s5;
	s9 =	sadd.s32 $0x1, s7  }
.LBB2_4:
0xc: {  	v2 =	vnsel vm1, $0x0, v2  }
0xd: {  	vm1 =	vgt.s32 v0, $0x0;
	v2 =	vmin.u32 v2, $0x4E1FF  }
0xe: {  	v0 =	vnsel vm1, $0x0, v0  }
0xf: {  	v0 =	vmin.u32 v0, $0x4E1FF  }
0x10: {  	[tilespmem:s18], [sflag:$0x1] =	stream.indirect_vreg.gather [hbm4b:s2+s10], $0x1, v1, vm0, $0x4038;
	[tilespmem:$0x640] =	vst v63  }
0x11: {  	(ifvalue) =	ssetifvalue $0x7FFFFFFF  }
0x12: {  	[tilespmem:s15], [sflag:$0x1] =	stream.indirect_vreg.gather [hbm4b:s2+s10], $0x1, v2, vm0, $0x4038;
	[tilespmem:$0x640] =	vst v63  }
0x13: {  	s29 =	sadd.s32 $0x10, s15;
	(ifvalue) =	ssetifvalue $0x7FFFFFFF  }
0x14: {  	[tilespmem:s29], [sflag:$0x1] =	stream.indirect_vreg.gather [hbm4b:s2+s10], $0x1, v0, vm0, $0x4038;
	[tilespmem:$0x640] =	vst v63  }
0x15: {  	_ =	swait.ge [sflag:s4], $0x190  }
0x16: {  	s30 =	sshrl.u32 s13, $0x3;
	[sflag:s4] =	ssyncset.done $0x0  }
0x17: {  	s31 =	sand.u32 $0x7, s13;
	s15 =	sadd.s32 s8, s30;
	[sflag:s4] =	ssyncadd.s32 $0xFFFFFE70  }
0x18: {  	[hbm4b:s15+s31] =	stream.linear.scatter [tilespmem:s14], [sflag:$0x3], $0x190, $0x38;
	[tilespmem:$0x640] =	vst v63  }
.LBB2_5:
0x19: {  	s15 =	sadd.s32 $0x1900, s11  }
0x1a: {  	p1 =	sgt.s32 s15, $0x270F  }
0x1b: {  	s15 =	smov.u32 @p1 s5;
	p1 =	sne.s32 s12, s9  }
.Ltmp1:
0x1c: {  	p0 =	slt.u32 s12, $0x2;
	(pc) =	sbr.rel @!p1 .LBB2_6-.Ltmp1, $4  }
0x1d: {  	s14 =	simm.s32 @!p0 $0x3  }
0x1e: {  	_ =	swait.ge @!p0 [sflag:s14], $0x190  }
0x1f: {  	s16 =	sadd.s32 $0x1, s12;
	s13 =	smov.u32 s11;
	[sflag:s14] =	ssyncset.done @!p0 $0x0  }
0x20: {  	s12 =	smov.u32 s16;
	s11 =	smov.u32 s15;
	[sflag:s14] =	ssyncadd.s32 @!p0 $0xFFFFFE70  }
.LBB2_1:
0x21: {  	p0 =	sge.u32 s12, s7  }
0x22: {  	s14 =	sxor.u32 @!p0 $0x1, s12  }
0x23: {  	s14 =	smul.u32 @!p0 $0x640, s14  }
0x24: {  	s31 =	sadd.s32 $0xFFFFFFFF, s12;
	s15 =	sshrl.u32 @!p0 s11, $0x3  }
0x25: {  	s16 =	sand.u32 @!p0 $0x7, s11;
	s15 =	sadd.s32 @!p0 s3, s15;
	s14 =	sshra.s32 @!p0 s14, $0x2  }
0x26: {  	[tilespmem:s14], [sflag:$0x2] =	stream.linear.gather @!p0 [hbm4b:s15+s16], $0x190, $0x38;
	[tilespmem:$0x640] =	vst v63  }
0x27: {  	p0 =	sge.u32 s31, s7  }
.Ltmp2:
0x28: {  	_ = 	snop;
	(pc) =	sbr.rel @p0 .LBB2_5-.Ltmp2, $1  }
0x29: {  	_ =	sdelay $0x3  }
0x2a: {  	s14 =	sand.u32 $0x1, s12  }
0x2b: {  	_ =	swait.ge [sflag:s6], $0x190;
	p0 =	seq.s32 s14, $0x1;
	s14 =	simm.s32 $0x190  }
0x2c: {  	[sflag:s6] =	ssyncset.done $0x0;
	s14 =	simm.s32 @!p0 $0x0  }
0x2d: {  	[sflag:s6] =	ssyncadd.s32 $0xFFFFFE70;
	(ifvalue) =	ssetifvalue $0x7FFFFFFF;
	v0 =	vld.msk [tilespmem:s14+$0x0 ss:$0x1], $0xffff;
	_ =	sdelay $0x4  }
0x2e: {  	s15 =	sadd.s32 $0x10, s14;
	vm1 =	vgt.s32 v0, $0x0  }
0x2f: {  	v2 =	vld.msk [tilespmem:s15+$0x0 ss:$0x1], $0xffff;
	v1 =	vnsel vm1, $0x0, v0  }
0x30: {  	v1 =	vmin.u32 v1, $0x4E1FF;
	_ =	sdelay $0x2  }
0x31: {  	s17 =	simm.s32 $0x20;
	s14 =	sadd.s32 $0x320, s14;
	s16 =	sadd.s32 $0x10, s15  }
0x32: {  	s15 =	sadd.s32 $0x10, s14;
	s18 =	smov.u32 s14;
	v0 =	vld.msk [tilespmem:s16+$0x0 ss:$0x1], $0xffff;
	vm1 =	vgt.s32 v2, $0x0;
	(ifvalue) =	ssetifvalue $0x7FFFFFFF  }
.LBB2_3:
0x33: {  	[tilespmem:s18], [sflag:$0x1] =	stream.indirect_vreg.gather [hbm4b:s2+s10], $0x1, v1, vm0, $0x4038;
	[tilespmem:$0x640] =	vst v63  }
0x34: {  	s17 =	sadd.s32 $0x10, s17  }
0x35: {  	v2 =	vnsel vm1, $0x0, v2;
	p0 =	slt.u32 s17, $0x180  }
.Ltmp3:
0x36: {  	s18 =	smov.u32 s15;
	v1 =	vmin.u32 v2, $0x4E1FF;
	(pc) =	sbr.rel @p0 .LBB2_3-.Ltmp3, $3  }
0x37: {  	_ =	sdelay $0x1  }
0x38: {  	s16 =	sadd.s32 $0x10, s16  }
0x39: {  	vm1 =	vgt.s32 v0, $0x0;
	s15 =	sadd.s32 $0x10, s15;
	v2 =	vmov v0;
	(ifvalue) =	ssetifvalue $0x7FFFFFFF;
	v0 =	vld.msk [tilespmem:s16+$0x0 ss:$0x1], $0xffff  }
.Ltmp4:
0x3a: {  	_ = 	snop;
	(pc) =	sbr.rel .LBB2_4-.Ltmp4, $1  }
0x3b: {  	_ =	sdelay $0x3  }
.LBB2_6:
0x3c: {  	_ =	sfence.sel $0x180000  }
0x3d: {  	s2 =	simm.s32 $0x2;
	[bflag:$0x0] =	sbarrier.arrive $0xFFFF  }
0x3e: {  	s30 =	simm.s32 $0x3;
	[sflag:s2] =	ssyncpa.u1 $0x1  }
0x3f: {  	s31 =	simm.s32 $0x1;
	[sflag:s30] =	ssyncpa.u1 $0x1  }
0x40: {  	[sflag:s31] =	ssyncpa.u1 $0x1  }
0x41: {  	p0 =	sne.s32 s1, $0x0;
	_ =	strace $0x9000004D  }
0x42: {  	s0 =	sadd.s32 @!p0 $0x100000, s0;
	[bflag:$0x2] =	sbarrier.arrive $0xFFFF  }
0x43: {  	[sflag:s0] =	ssyncadd.tile.s32 @!p0 $0x1;
	_ =	shalt  }
.Lfunc_end2:
_tile_overlayer_lowered:
.L_overlay_start_2:
0x44: {  	(tag) =	ssettag $0x2  }
0x45: {  	s0 =	rddreg [dreg:$0x0];
	s2 =	stileid.u32  }
0x46: {  	s1 =	rddreg [dreg:$0x1];
	p0 =	sne.s32 s2, $0x0  }
0x47: {  	s3 =	rddreg [dreg:$0x2];
	[bflag:$0x3] =	sbarrier.arrive $0xFFFF;
	s2 =	simm.s32 @!p0 $0x1C01  }
0x48: {  	[timem:s3], [sflag:s2] =	dma.local @!p0 [hbm:s0], s1  }
0x49: {  	s0 =	simm.s32 @!p0 $0x1  }
0x4a: {  	_ =	swait.ge @!p0 [sflag:s0], s1  }
0x4b: {  	s1 =	ssub.s32 @!p0 $0x0, s1;
	[sflag:s0] =	ssyncset.done @!p0 $0x0  }
0x4c: {  	[sflag:s0] =	ssyncadd.s32 @!p0 s1  }
0x4d: {  	[bflag:$0x3] =	sbarrier.arrive $0xFFFF  }
0x4e: {  	_ =	shalt  }

// kernel: kernel.10.cloned.1.call-start
scs
__scs_entry_jumppad:
0x0: {  	(pc) =	sbr.rel $0x88, $3  }
0x1: {  	(tag) =	ssettag $0x0;
	lr =	simm.s32 $0x1  }
0x2: {  	[smem:$0x3F93] =	sst lr;
	_ =	strace $0xD0000000  }
0x3: {  	_ = 	snop  }
0x4: {  	_ = 	snop  }
0x5: {  	_ = 	snop  }
0x6: {  	_ = 	snop  }
0x7: {  	_ = 	snop  }
__scs_overlays_trampoline_lowered:
0x8: {  	[smem:$0x3FA2] =	sst s0  }
0x9: {  	[smem:$0x3FA3] =	sst s1  }
0xa: {  	[smem:$0x3FA4] =	sst s2  }
0xb: {  	[smem:$0x3FA5] =	sst s3  }
0xc: {  	[smem:$0x3FA6] =	sst s4  }
0xd: {  	[smem:$0x3FA7] =	sst s5  }
0xe: {  	[smem:$0x3FA8] =	sst s6  }
0xf: {  	[smem:$0x3FA9] =	sst s7  }
0x10: {  	[smem:$0x3FAA] =	sst s8  }
0x11: {  	[smem:$0x3FAB] =	sst s9;
	s0 =	simm.s32 @!p0 $0x0  }
0x12: {  	s1 =	sld [smem:$0x3F91];
	s0 =	simm.s32 @p0 $0x1  }
0x13: {  	[smem:$0x3FAC] =	sst s0;
	s0 =	simm.s32 @!p1 $0x0  }
0x14: {  	s2 =	sld [smem:$0x3F90];
	s0 =	simm.s32 @p1 $0x1  }
0x15: {  	[smem:$0x3FAD] =	sst s0;
	s0 =	simm.s32 @!p2 $0x0  }
0x16: {  	s3 =	sld [smem:$0x3FDB];
	s0 =	simm.s32 @p2 $0x1  }
0x17: {  	s4 =	simm.s32 $0x1BF5;
	[smem:$0x3FAF] =	sst s0  }
0x18: {  	s0 =	sld [smem:$0x3F92];
	_ =	swait.ge [sflag:s4], $0x0  }
0x19: {  	s7 =	sld [smem:$0x3F93]  }
0x1a: {  	s8 =	sadd.s32 $0xFFFFE003, lr  }
0x1b: {  	s9 =	sadd.s32 $0xFFFFFEF7, lr;
	s5 =	simm.s32 $0xFFFFFFFF;
	p2 =	slt.u32 s8, $0xFFFFF086  }
0x1c: {  	p1 =	slt.u32 s9, $0xF7A;
	s5 =	simm.s32 @!p2 $0x0  }
0x1d: {  	s5 =	simm.s32 @p1 $0x1;
	p0 =	seq.s32 s7, s2  }
0x1e: {  	s7 =	smul.u32 @!p0 $0xF7A, s2;
	p2 =	seq.s32 @!p0 s5, $0x0  }
0x1f: {  	s9 =	smul.u32 $0xF7A, s1;
	s8 =	simm.s32 @!p0 $0x1BF5;
	p2 =	por !p2, p0  }
0x20: {  	[sflag:s8] =	ssyncset.s32 @!p0 $0xFFFFF086;
	s6 =	sadd.s32 @!p0 s3, s7;
	s7 =	simm.s32 @!p0 $0x108  }
0x21: {  	s3 =	sadd.s32 s3, s9;
	s6 =	sadd.s32 @!p0 $0x88, s6;
	s7 =	simm.s32 @p2 $0x1082  }
0x22: {  	[simem:s7], [sflag:s8] =	dma.local @!p0 [hbm:s6], $0xF7A  }
0x23: {  	s9 =	sor.u32 $0xD0000000, s2;
	s6 =	simm.s32 $0x108;
	_ =	swait.ge @!p0 [sflag:s8], $0x0  }
0x24: {  	s3 =	sadd.s32 $0x88, s3;
	s6 =	simm.s32 @!p1 $0x1082;
	[sflag:s4] =	ssyncset.s32 $0xFFFFF086  }
0x25: {  	[simem:s6], [sflag:s4] =	dma.local [hbm:s3], $0xF7A  }
0x26: {  	[smem:$0x3F93] =	sst s1;
	(tag) =	ssettag s2;
	_ =	strace s9  }
0x27: {  	s1 =	sld [smem:$0x3FA3]  }
0x28: {  	s2 =	sld [smem:$0x3FA4]  }
0x29: {  	s4 =	sld [smem:$0x3FA6]  }
0x2a: {  	p0 =	seq.s32 s5, $0x0;
	s5 =	sld [smem:$0x3FA7]  }
0x2b: {  	s6 =	sld [smem:$0x3FA8]  }
0x2c: {  	s7 =	sld [smem:$0x3FA9]  }
0x2d: {  	s3 =	simm.s32 $0x108;
	s8 =	sld [smem:$0x3FAA]  }
0x2e: {  	s3 =	simm.s32 @!p0 $0x1082;
	s9 =	sld [smem:$0x3FAB]  }
0x2f: {  	lr =	sadd.s32 s0, s3;
	s0 =	sld [smem:$0x3FA2]  }
0x30: {  	s3 =	sld [smem:$0x3FA5]  }
0x31: {  	[smem:$0x3FAE] =	sst s10  }
0x32: {  	s10 =	sld [smem:$0x3FAC];
	_ =	sdelay $0x3  }
0x33: {  	p0 =	seq.s32 s10, $0x1;
	s10 =	sld [smem:$0x3FAE];
	_ =	sdelay $0x3  }
0x34: {  	[smem:$0x3FAE] =	sst s10  }
0x35: {  	s10 =	sld [smem:$0x3FAD];
	_ =	sdelay $0x3  }
0x36: {  	p1 =	seq.s32 s10, $0x1;
	s10 =	sld [smem:$0x3FAE];
	_ =	sdelay $0x3  }
0x37: {  	[smem:$0x3FAE] =	sst s10  }
0x38: {  	s10 =	sld [smem:$0x3FAF]  }
0x39: {  	_ = 	snop;
	(pc) =	sbr.ind lr, $3  }
0x3a: {  	_ = 	snop  }
0x3b: {  	_ = 	snop  }
0x3c: {  	p2 =	seq.s32 s10, $0x1;
	s10 =	sld [smem:$0x3FAE]  }
0x3d: {  	_ =	shalt  }
0x3e: {  	_ =	shalt  }
0x3f: {  	_ =	shalt  }
0x40: {  	_ =	shalt  }
0x41: {  	_ =	shalt  }
0x42: {  	_ =	shalt  }
0x43: {  	_ =	shalt  }
0x44: {  	_ =	shalt  }
0x45: {  	_ =	shalt  }
0x46: {  	_ =	shalt  }
0x47: {  	_ =	shalt  }
0x48: {  	_ =	shalt  }
0x49: {  	_ =	shalt  }
0x4a: {  	_ =	shalt  }
0x4b: {  	_ =	shalt  }
0x4c: {  	_ =	shalt  }
0x4d: {  	_ =	shalt  }
0x4e: {  	_ =	shalt  }
0x4f: {  	_ =	shalt  }
0x50: {  	_ =	shalt  }
0x51: {  	_ =	shalt  }
0x52: {  	_ =	shalt  }
0x53: {  	_ =	shalt  }
0x54: {  	_ =	shalt  }
0x55: {  	_ =	shalt  }
0x56: {  	_ =	shalt  }
0x57: {  	_ =	shalt  }
0x58: {  	_ =	shalt  }
0x59: {  	_ =	shalt  }
0x5a: {  	_ =	shalt  }
0x5b: {  	_ =	shalt  }
0x5c: {  	_ =	shalt  }
0x5d: {  	_ =	shalt  }
0x5e: {  	_ =	shalt  }
0x5f: {  	_ =	shalt  }
0x60: {  	_ =	shalt  }
0x61: {  	_ =	shalt  }
0x62: {  	_ =	shalt  }
0x63: {  	_ =	shalt  }
0x64: {  	_ =	shalt  }
0x65: {  	_ =	shalt  }
0x66: {  	_ =	shalt  }
0x67: {  	_ =	shalt  }
0x68: {  	_ =	shalt  }
0x69: {  	_ =	shalt  }
0x6a: {  	_ =	shalt  }
0x6b: {  	_ =	shalt  }
0x6c: {  	_ =	shalt  }
0x6d: {  	_ =	shalt  }
0x6e: {  	_ =	shalt  }
0x6f: {  	_ =	shalt  }
0x70: {  	_ =	shalt  }
0x71: {  	_ =	shalt  }
0x72: {  	_ =	shalt  }
0x73: {  	_ =	shalt  }
0x74: {  	_ =	shalt  }
0x75: {  	_ =	shalt  }
0x76: {  	_ =	shalt  }
0x77: {  	_ =	shalt  }
0x78: {  	_ =	shalt  }
0x79: {  	_ =	shalt  }
0x7a: {  	_ =	shalt  }
0x7b: {  	_ =	shalt  }
0x7c: {  	_ =	shalt  }
0x7d: {  	_ =	shalt  }
0x7e: {  	_ =	shalt  }
0x7f: {  	_ =	shalt  }
0x80: {  	_ =	shalt  }
0x81: {  	_ =	shalt  }
0x82: {  	_ =	shalt  }
0x83: {  	_ =	shalt  }
0x84: {  	_ =	shalt  }
0x85: {  	_ =	shalt  }
0x86: {  	_ =	shalt  }
0x87: {  	_ =	shalt  }
.Lfunc_end0:
.L_simem_size_0:
called_computation.3_lowered:
.L_overlay_start_0:
0x88: {  	s2 =	sld [smem:$0x3FD9]  }
0x89: {  	s3 =	sld [smem:$0x3FFE];
	_ =	sdelay $0x1  }
0x8a: {  	s1 =	srdreg.scid  }
0x8b: {  	s0 =	sand.u32 $0x1, s1  }
0x8c: {  	s16 =	sshll.u32 s0, $0xA;
	s2 =	sadd.s32 s3, s2  }
0x8d: {  	s2 =	sadd.s32 s2, s16  }
0x8e: {  	[smem:$0x3FBA] =	sst s2  }
0x8f: {  	_ = 	snop  }
0x90: {  	(tm) =	ssettm $0x1  }
0x91: {  	s17 =	sld [smem:$0x3FFB];
	_ =	sdelay $0x3  }
0x92: {  	_ =	strace s17  }
0x93: {  	s2 =	sld [smem:$0x3FFC];
	_ =	sdelay $0x3  }
0x94: {  	_ =	strace s2  }
0x95: {  	s2 =	sld [smem:$0x3FFD];
	_ =	sdelay $0x3  }
0x96: {  	_ =	strace s2  }
0x97: {  	_ =	strace $0x8FFFFFFF  }
0x98: {  	s18 =	sld [smem:$0x3FDB];
	_ =	sdelay $0x1  }
0x99: {  	s19 =	simm.s32 $_scs_section_size  }
0x9a: {  	s4 =	simm.s32 $_size__tile_overlayer_lowered;
	s5 =	simm.s32 $_tile_overlayer_lowered  }
0x9b: {  	s22 =	simm.s32 $0x1BFF;
	s21 =	sshll.u32 s5, $0x1;
	s2 =	sadd.s32 s19, s18  }
0x9c: {  	s6 =	simm.s32 $0x0;
	s20 =	sshll.u32 s4, $0x1;
	s4 =	sadd.s32 s21, s2  }
0x9d: {  	[timem:s6], [sflag:s22] =	dma.local [hbm:s4], s20  }
0x9e: {  	_ =	swait.ge [sflag:s22], s20  }
0x9f: {  	s3 =	ssub.s32 $0x0, s20;
	[sflag:s22] =	ssyncset.done $0x0  }
0xa0: {  	[sflag:s22] =	ssyncadd.s32 s3;
	_ =	sdelay $0x1  }
0xa1: {  	s23 =	simm.s32 $0x1B8B  }
0xa2: {  	_ =	swait.ge [sflag:s23], $0x1  }
0xa3: {  	[sflag:s23] =	ssyncset.done $0x0  }
0xa4: {  	s25 =	simm.s32 $0x1B8E;
	s24 =	sld [smem:$0x3FFE];
	[sflag:s23] =	ssyncadd.s32 $0xFFFFFFFF  }
0xa5: {  	s26 =	simm.s32 $execute0_lowered;
	[smem:$0x3FD2] =	sst s25  }
0xa6: {  	s4 =	sshll.u32 s26, $0x1;
	_ =	strace $0x80000049;
	[dreg:$0x1] =	wrdreg $0xFFFFFFFF  }
0xa7: {  	s28 =	simm.s32 $_size_execute0_lowered;
	s2 =	sadd.s32 s2, s4;
	[dreg:$0x0] =	wrdreg $0x0  }
0xa8: {  	s4 =	sshll.u32 s28, $0x1;
	[dreg:$0x2] =	wrdreg s2  }
0xa9: {  	[dreg:$0x3] =	wrdreg s4  }
0xaa: {  	[dreg:$0x4] =	wrdreg $0xC0  }
0xab: {  	_ =	task [dreg:s6], $0x5FFFF  }
0xac: {  	[dreg:$0x1] =	wrdreg $0xFFFFFFFF  }
0xad: {  	[dreg:$0x0] =	wrdreg $0x60  }
0xae: {  	[dreg:$0x2] =	wrdreg s24  }
0xaf: {  	[dreg:$0x3] =	wrdreg $0x9  }
0xb0: {  	_ =	task.clear_ibuf [dreg:s6], $0x4FFFF;
	_ =	strace $0x90000049  }
0xb1: {  	s29 =	simm.s32 $0x9;
	_ =	strace $0x8000004B  }
0xb2: {  	_ =	swait.ge [sflag:s29], $0x1  }
0xb3: {  	[sflag:s29] =	ssyncadd.s32 $0xFFFFFFFF  }
0xb4: {  	_ =	strace $0x9000004B  }
0xb5: {  	_ =	sfence  }
0xb6: {  	s30 =	sld [smem:$0x0];
	_ =	sdelay $0x2  }
0xb7: {  	s31 =	sshll.u32 s1, $0xD;
	s1 =	sshrl.u32 s1, $0x2  }
0xb8: {  	s3 =	sand.u32 $0x4000, s31;
	s1 =	sadd.s32 s1, s30  }
0xb9: {  	s0 =	sor.u32 s3, s0;
	s1 =	sshll.u32 s1, $0x11  }
0xba: {  	s0 =	sor.u32 s1, s0  }
0xbb: {  	s0 =	sadd.s32 $0x8F2B, s0  }
0xbc: {  	[sflag:s0] =	ssyncadd.remote.s32 $0x1  }
0xbd: {  	_ =	sfence.sel $0xFFFF  }
0xbe: {  	[dreg:$0x0] =	wrdreg $0xFFFFFFFF;
	(pc) =	sbr.abs _section_cstart, $3  }
0xbf: {  	[dreg:$0x1] =	wrdreg $0xFFFFFFFF  }
0xc0: {  	_ =	task.clear_ibuf [dreg:s6], $0x2FFFF;
	_ =	strace $0x9FFFFFFF  }
0xc1: {  	(tm) =	ssettm $0x7FFFFFFF  }
tec
execute0_lowered:
.L_overlay_start_1:
0x0: {  	(tag) =	ssettag $0x1  }
0x1: {  	s0 =	rddreg [dreg:$0x0]  }
0x2: {  	s1 =	srdreg.scid;
	s6 =	stileid.u32  }
0x3: {  	s2 =	simm.s32 $0x0;
	s24 =	simm.s32 $0x900;
	s25 =	simm.s32 $0x1100  }
0x4: {  	s26 =	simm.s32 $0x1900;
	s9 =	simm.s32 $0x2900;
	s10 =	simm.s32 $0x3100  }
0x5: {  	s11 =	simm.s32 $0x3900;
	s12 =	simm.s32 $0x4100;
	s13 =	simm.s32 $0x4900  }
0x6: {  	s14 =	simm.s32 $0x5100;
	s15 =	simm.s32 $0x5900;
	s16 =	simm.s32 $0x6100  }
0x7: {  	s17 =	simm.s32 $0x6900;
	s18 =	simm.s32 $0x7100;
	s19 =	simm.s32 $0x7900  }
0x8: {  	s28 =	simm.s32 $0xB900;
	s29 =	simm.s32 $0xC100;
	s30 =	simm.s32 $0x1  }
0x9: {  	s31 =	simm.s32 $0x0;
	s4 =	smul.u32 $0xC350, s6;
	[smem:$0x7FF] =	sst s2  }
0xa: {  	s1 =	sand.u32 $0x1, s1;
	s3 =	sadd.s32 $0xC55200, s0;
	s20 =	smul.u32 $0x186A00, s6  }
0xb: {  	s6 =	simm.s32 $0x2;
	_ =	strace $0x8000004A;
	[dreg:$0x3] =	wrdreg s24  }
0xc: {  	s5 =	smul.u32 $0x61A8, s1;
	s21 =	ssub.s32 $0x2, s1;
	[dreg:$0x4] =	wrdreg s25  }
0xd: {  	s1 =	smul.u32 $0xC3500, s1;
	[dreg:$0x5] =	wrdreg s26;
	s24 =	simm.s32 $0xA100  }
0xe: {  	s25 =	simm.s32 $0xA900;
	s7 =	sshrl.u32 s21, $0x1;
	s4 =	sadd.s32 s5, s4  }
0xf: {  	s26 =	simm.s32 $0xB100;
	s22 =	ssub.s32 s21, s7;
	s4 =	sshrl.u32 s4, $0x3  }
0x10: {  	s7 =	simm.s32 $0x100;
	s21 =	simm.s32 $0x8900;
	s8 =	sadd.s32 s4, s0  }
0x11: {  	s0 =	sadd.s32 s20, s0;
	s4 =	smax.u32 s22, $0x1;
	s20 =	simm.s32 $0x8100  }
0x12: {  	v2 =	vlaneseq.u32;
	[dreg:$0x6] =	wrdreg s4;
	s0 =	sadd.s32 s1, s0;
	s23 =	sadd.s32 $0x5400, s8  }
0x13: {  	vm0 =	vmmov $0xffff;
	v1 =	vshrl.u32 v2, $0x3;
	s22 =	simm.s32 $0x9100;
	s0 =	sadd.s32 $0xCA3400, s0;
	[dreg:$0x2] =	wrdreg s23  }
0x14: {  	v0 =	vand.u32 $0x7, v2;
	v2 =	vor.u32 $0x8, v2;
	v1 =	vmul.u32 $0x8, v1;
	s8 =	simm.s32 $0x2100;
	s23 =	simm.s32 $0x9900;
	[dreg:$0x7] =	wrdreg s0  }
.LBB2_1:
0x15: {  	s5 =	rddreg [dreg:$0x7];
	s1 =	simm.s32 $0x0  }
.LBB2_2:
0x16: {  	s4 =	rddreg [dreg:$0x2]  }
0x17: {  	s4 =	sadd.s32 s1, s4  }
0x18: {  	[tilespmem:s2], [sflag:$0x2] =	stream.linear.gather [hbm4b:s4+s2], $0xC8, $0x38;
	[tilespmem:$0xC900] =	vst v63  }
0x19: {  	_ =	swait.ge [sflag:s6], $0xC8  }
0x1a: {  	[sflag:s6] =	ssyncset.done $0x0  }
0x1b: {  	[sflag:s6] =	ssyncadd.s32 $0xFFFFFF38  }
0x1c: {  	v3 =	vld [tilespmem:$0x0];
	_ =	sdelay $0x4  }
0x1d: {  	v4 =	vshll.u32 v3, $0x1  }
0x1e: {  	v3 =	vand.u32 $0x7, v3;
	v4 =	vand.u32 $0xFFFFFFF0, v4  }
0x1f: {  	v3 =	vor.u32 v3, v4  }
0x20: {  	v4 =	vperm.xlane v3, v0;
	_ =	sdelay $0x1  }
0x21: {  	v3 =	vperm.xlane v3, v2;
	v4 =	vadd.s32 v1, v4;
	_ =	sdelay $0x1  }
0x22: {  	v3 =	vadd.s32 v1, v3;
	_ =	sdelay $0x2  }
0x23: {  	[tilespmem:s7], [sflag:$0x1] =	stream.indirect_vreg.gather [hbm4b:s3+s2], $0x80, v4, vm0, $0xb8;
	[tilespmem:$0xC900] =	vst v63  }
0x24: {  	s0 =	rddreg [dreg:$0x3]  }
0x25: {  	[tilespmem:s0], [sflag:$0x1] =	stream.indirect_vreg.gather [hbm4b:s3+s2], $0x80, v3, vm0, $0xb8;
	[tilespmem:$0xC900] =	vst v63  }
0x26: {  	v3 =	vld [tilespmem:$0x10];
	_ =	sdelay $0x4  }
0x27: {  	v52 =	vshll.u32 v3, $0x1  }
0x28: {  	v3 =	vand.u32 $0x7, v3;
	v4 =	vand.u32 $0xFFFFFFF0, v52  }
0x29: {  	v3 =	vor.u32 v3, v4  }
0x2a: {  	v4 =	vperm.xlane v3, v0;
	_ =	sdelay $0x1  }
0x2b: {  	v3 =	vperm.xlane v3, v2;
	v4 =	vadd.s32 v1, v4;
	_ =	sdelay $0x1  }
0x2c: {  	v3 =	vadd.s32 v1, v3;
	_ =	sdelay $0x1  }
0x2d: {  	s4 =	rddreg [dreg:$0x4]  }
0x2e: {  	[tilespmem:s4], [sflag:$0x1] =	stream.indirect_vreg.gather [hbm4b:s3+s2], $0x80, v4, vm0, $0xb8;
	[tilespmem:$0xC900] =	vst v63  }
0x2f: {  	s0 =	rddreg [dreg:$0x5]  }
0x30: {  	[tilespmem:s0], [sflag:$0x1] =	stream.indirect_vreg.gather [hbm4b:s3+s2], $0x80, v3, vm0, $0xb8;
	[tilespmem:$0xC900] =	vst v63  }
0x31: {  	v3 =	vld [tilespmem:$0x20];
	_ =	sdelay $0x4  }
0x32: {  	v53 =	vshll.u32 v3, $0x1  }
0x33: {  	v3 =	vand.u32 $0x7, v3;
	v4 =	vand.u32 $0xFFFFFFF0, v53  }
0x34: {  	v3 =	vor.u32 v3, v4  }
0x35: {  	v4 =	vperm.xlane v3, v0;
	_ =	sdelay $0x1  }
0x36: {  	v3 =	vperm.xlane v3, v2;
	v4 =	vadd.s32 v1, v4;
	_ =	sdelay $0x1  }
0x37: {  	v3 =	vadd.s32 v1, v3;
	_ =	sdelay $0x2  }
0x38: {  	[tilespmem:s8], [sflag:$0x1] =	stream.indirect_vreg.gather [hbm4b:s3+s2], $0x80, v4, vm0, $0xb8;
	[tilespmem:$0xC900] =	vst v63  }
0x39: {  	_ = 	snop  }
0x3a: {  	[tilespmem:s9], [sflag:$0x1] =	stream.indirect_vreg.gather [hbm4b:s3+s2], $0x80, v3, vm0, $0xb8;
	[tilespmem:$0xC900] =	vst v63  }
0x3b: {  	v3 =	vld [tilespmem:$0x30];
	_ =	sdelay $0x4  }
0x3c: {  	v54 =	vshll.u32 v3, $0x1  }
0x3d: {  	v3 =	vand.u32 $0x7, v3;
	v4 =	vand.u32 $0xFFFFFFF0, v54  }
0x3e: {  	v3 =	vor.u32 v3, v4  }
0x3f: {  	v4 =	vperm.xlane v3, v0;
	_ =	sdelay $0x1  }
0x40: {  	v3 =	vperm.xlane v3, v2;
	v4 =	vadd.s32 v1, v4;
	_ =	sdelay $0x1  }
0x41: {  	v3 =	vadd.s32 v1, v3;
	_ =	sdelay $0x2  }
0x42: {  	[tilespmem:s10], [sflag:$0x1] =	stream.indirect_vreg.gather [hbm4b:s3+s2], $0x80, v4, vm0, $0xb8;
	[tilespmem:$0xC900] =	vst v63  }
0x43: {  	_ = 	snop  }
0x44: {  	[tilespmem:s11], [sflag:$0x1] =	stream.indirect_vreg.gather [hbm4b:s3+s2], $0x80, v3, vm0, $0xb8;
	[tilespmem:$0xC900] =	vst v63  }
0x45: {  	v3 =	vld [tilespmem:$0x40];
	_ =	sdelay $0x4  }
0x46: {  	v55 =	vshll.u32 v3, $0x1  }
0x47: {  	v3 =	vand.u32 $0x7, v3;
	v4 =	vand.u32 $0xFFFFFFF0, v55  }
0x48: {  	v3 =	vor.u32 v3, v4  }
0x49: {  	v4 =	vperm.xlane v3, v0;
	_ =	sdelay $0x1  }
0x4a: {  	v3 =	vperm.xlane v3, v2;
	v4 =	vadd.s32 v1, v4;
	_ =	sdelay $0x1  }
0x4b: {  	v3 =	vadd.s32 v1, v3;
	_ =	sdelay $0x2  }
0x4c: {  	[tilespmem:s12], [sflag:$0x1] =	stream.indirect_vreg.gather [hbm4b:s3+s2], $0x80, v4, vm0, $0xb8;
	[tilespmem:$0xC900] =	vst v63  }
0x4d: {  	_ = 	snop  }
0x4e: {  	[tilespmem:s13], [sflag:$0x1] =	stream.indirect_vreg.gather [hbm4b:s3+s2], $0x80, v3, vm0, $0xb8;
	[tilespmem:$0xC900] =	vst v63  }
0x4f: {  	v3 =	vld [tilespmem:$0x50];
	_ =	sdelay $0x4  }
0x50: {  	v56 =	vshll.u32 v3, $0x1  }
0x51: {  	v3 =	vand.u32 $0x7, v3;
	v4 =	vand.u32 $0xFFFFFFF0, v56  }
0x52: {  	v3 =	vor.u32 v3, v4  }
0x53: {  	v4 =	vperm.xlane v3, v0;
	_ =	sdelay $0x1  }
0x54: {  	v3 =	vperm.xlane v3, v2;
	v4 =	vadd.s32 v1, v4;
	_ =	sdelay $0x1  }
0x55: {  	v3 =	vadd.s32 v1, v3;
	_ =	sdelay $0x2  }
0x56: {  	[tilespmem:s14], [sflag:$0x1] =	stream.indirect_vreg.gather [hbm4b:s3+s2], $0x80, v4, vm0, $0xb8;
	[tilespmem:$0xC900] =	vst v63  }
0x57: {  	_ = 	snop  }
0x58: {  	[tilespmem:s15], [sflag:$0x1] =	stream.indirect_vreg.gather [hbm4b:s3+s2], $0x80, v3, vm0, $0xb8;
	[tilespmem:$0xC900] =	vst v63  }
0x59: {  	v3 =	vld [tilespmem:$0x60];
	_ =	sdelay $0x4  }
0x5a: {  	v57 =	vshll.u32 v3, $0x1  }
0x5b: {  	v3 =	vand.u32 $0x7, v3;
	v4 =	vand.u32 $0xFFFFFFF0, v57  }
0x5c: {  	v3 =	vor.u32 v3, v4  }
0x5d: {  	v4 =	vperm.xlane v3, v0;
	_ =	sdelay $0x1  }
0x5e: {  	v3 =	vperm.xlane v3, v2;
	v4 =	vadd.s32 v1, v4;
	_ =	sdelay $0x1  }
0x5f: {  	v3 =	vadd.s32 v1, v3;
	_ =	sdelay $0x2  }
0x60: {  	[tilespmem:s16], [sflag:$0x1] =	stream.indirect_vreg.gather [hbm4b:s3+s2], $0x80, v4, vm0, $0xb8;
	[tilespmem:$0xC900] =	vst v63  }
0x61: {  	_ = 	snop  }
0x62: {  	[tilespmem:s17], [sflag:$0x1] =	stream.indirect_vreg.gather [hbm4b:s3+s2], $0x80, v3, vm0, $0xb8;
	[tilespmem:$0xC900] =	vst v63  }
0x63: {  	v3 =	vld [tilespmem:$0x70];
	_ =	sdelay $0x4  }
0x64: {  	v58 =	vshll.u32 v3, $0x1  }
0x65: {  	v3 =	vand.u32 $0x7, v3;
	v4 =	vand.u32 $0xFFFFFFF0, v58  }
0x66: {  	v3 =	vor.u32 v3, v4  }
0x67: {  	v4 =	vperm.xlane v3, v0;
	_ =	sdelay $0x1  }
0x68: {  	v3 =	vperm.xlane v3, v2;
	v4 =	vadd.s32 v1, v4;
	_ =	sdelay $0x1  }
0x69: {  	v3 =	vadd.s32 v1, v3;
	_ =	sdelay $0x2  }
0x6a: {  	[tilespmem:s18], [sflag:$0x1] =	stream.indirect_vreg.gather [hbm4b:s3+s2], $0x80, v4, vm0, $0xb8;
	[tilespmem:$0xC900] =	vst v63  }
0x6b: {  	_ = 	snop  }
0x6c: {  	[tilespmem:s19], [sflag:$0x1] =	stream.indirect_vreg.gather [hbm4b:s3+s2], $0x80, v3, vm0, $0xb8;
	[tilespmem:$0xC900] =	vst v63  }
0x6d: {  	v3 =	vld [tilespmem:$0x80];
	_ =	sdelay $0x4  }
0x6e: {  	v59 =	vshll.u32 v3, $0x1  }
0x6f: {  	v3 =	vand.u32 $0x7, v3;
	v4 =	vand.u32 $0xFFFFFFF0, v59  }
0x70: {  	v3 =	vor.u32 v3, v4  }
0x71: {  	v4 =	vperm.xlane v3, v0;
	_ =	sdelay $0x1  }
0x72: {  	v3 =	vperm.xlane v3, v2;
	v4 =	vadd.s32 v1, v4;
	_ =	sdelay $0x1  }
0x73: {  	v3 =	vadd.s32 v1, v3;
	_ =	sdelay $0x2  }
0x74: {  	[tilespmem:s20], [sflag:$0x1] =	stream.indirect_vreg.gather [hbm4b:s3+s2], $0x80, v4, vm0, $0xb8;
	[tilespmem:$0xC900] =	vst v63  }
0x75: {  	_ = 	snop  }
0x76: {  	[tilespmem:s21], [sflag:$0x1] =	stream.indirect_vreg.gather [hbm4b:s3+s2], $0x80, v3, vm0, $0xb8;
	[tilespmem:$0xC900] =	vst v63  }
0x77: {  	v3 =	vld [tilespmem:$0x90];
	_ =	sdelay $0x4  }
0x78: {  	v60 =	vshll.u32 v3, $0x1  }
0x79: {  	v3 =	vand.u32 $0x7, v3;
	v4 =	vand.u32 $0xFFFFFFF0, v60  }
0x7a: {  	v3 =	vor.u32 v3, v4  }
0x7b: {  	v4 =	vperm.xlane v3, v0;
	_ =	sdelay $0x1  }
0x7c: {  	v3 =	vperm.xlane v3, v2;
	v4 =	vadd.s32 v1, v4;
	_ =	sdelay $0x1  }
0x7d: {  	v3 =	vadd.s32 v1, v3;
	_ =	sdelay $0x2  }
0x7e: {  	[tilespmem:s22], [sflag:$0x1] =	stream.indirect_vreg.gather [hbm4b:s3+s2], $0x80, v4, vm0, $0xb8;
	[tilespmem:$0xC900] =	vst v63  }
0x7f: {  	_ = 	snop  }
0x80: {  	[tilespmem:s23], [sflag:$0x1] =	stream.indirect_vreg.gather [hbm4b:s3+s2], $0x80, v3, vm0, $0xb8;
	[tilespmem:$0xC900] =	vst v63  }
0x81: {  	v3 =	vld [tilespmem:$0xA0];
	_ =	sdelay $0x4  }
0x82: {  	v61 =	vshll.u32 v3, $0x1  }
0x83: {  	v3 =	vand.u32 $0x7, v3;
	v4 =	vand.u32 $0xFFFFFFF0, v61  }
0x84: {  	v3 =	vor.u32 v3, v4  }
0x85: {  	v4 =	vperm.xlane v3, v0;
	_ =	sdelay $0x1  }
0x86: {  	v3 =	vperm.xlane v3, v2;
	v4 =	vadd.s32 v1, v4;
	_ =	sdelay $0x1  }
0x87: {  	v3 =	vadd.s32 v1, v3;
	_ =	sdelay $0x2  }
0x88: {  	[tilespmem:s24], [sflag:$0x1] =	stream.indirect_vreg.gather [hbm4b:s3+s2], $0x80, v4, vm0, $0xb8;
	[tilespmem:$0xC900] =	vst v63  }
0x89: {  	_ = 	snop  }
0x8a: {  	[tilespmem:s25], [sflag:$0x1] =	stream.indirect_vreg.gather [hbm4b:s3+s2], $0x80, v3, vm0, $0xb8;
	[tilespmem:$0xC900] =	vst v63  }
0x8b: {  	v3 =	vld [tilespmem:$0xB0];
	_ =	sdelay $0x4  }
0x8c: {  	v62 =	vshll.u32 v3, $0x1  }
0x8d: {  	v3 =	vand.u32 $0x7, v3;
	v4 =	vand.u32 $0xFFFFFFF0, v62  }
0x8e: {  	v3 =	vor.u32 v3, v4  }
0x8f: {  	v4 =	vperm.xlane v3, v0;
	_ =	sdelay $0x1  }
0x90: {  	v3 =	vperm.xlane v3, v2;
	v4 =	vadd.s32 v1, v4;
	_ =	sdelay $0x1  }
0x91: {  	v3 =	vadd.s32 v1, v3;
	_ =	sdelay $0x2  }
0x92: {  	[tilespmem:s26], [sflag:$0x1] =	stream.indirect_vreg.gather [hbm4b:s3+s2], $0x80, v4, vm0, $0xb8;
	[tilespmem:$0xC900] =	vst v63  }
0x93: {  	_ = 	snop  }
0x94: {  	[tilespmem:s28], [sflag:$0x1] =	stream.indirect_vreg.gather [hbm4b:s3+s2], $0x80, v3, vm0, $0xb8;
	[tilespmem:$0xC900] =	vst v63  }
0x95: {  	v3 =	vld.msk [tilespmem:$0xC0], $0xff;
	_ =	sdelay $0x4  }
0x96: {  	v63 =	vshll.u32 v3, $0x1  }
0x97: {  	v3 =	vand.u32 $0x7, v3;
	v4 =	vand.u32 $0xFFFFFFF0, v63  }
0x98: {  	v3 =	vor.u32 v3, v4  }
0x99: {  	v3 =	vperm.xlane v3, v0;
	_ =	sdelay $0x1  }
0x9a: {  	v3 =	vadd.s32 v1, v3;
	_ =	sdelay $0x4  }
0x9b: {  	[tilespmem:s29], [sflag:$0x1] =	stream.indirect_vreg.gather [hbm4b:s3+s2], $0x80, v3, vm0, $0xb8;
	[tilespmem:$0xC900] =	vst v63  }
0x9c: {  	_ =	swait.ge [sflag:s30], $0xC800  }
0x9d: {  	p0 =	sne.s32 s1, $0xC1C;
	[sflag:s30] =	ssyncset.done $0x0  }
.Ltmp0:
0x9e: {  	[sflag:s30] =	ssyncadd.s32 $0xFFFF3800;
	(pc) =	sbr.rel @p0 .LBB2_2-.Ltmp0, $4  }
0x9f: {  	[hbm4b:s5+s2] =	stream.linear.scatter [tilespmem:s7], [sflag:$0x2], $0xC800, $0x38;
	[tilespmem:$0xC900] =	vst v63  }
0xa0: {  	_ =	swait.ge [sflag:s6], $0xC800  }
0xa1: {  	[sflag:s6] =	ssyncset.done $0x0  }
0xa2: {  	s1 =	sadd.s32 $0x19, s1;
	s5 =	sadd.s32 $0x1900, s5;
	[sflag:s6] =	ssyncadd.s32 $0xFFFF3800  }
0xa3: {  	s31 =	sadd.s32 $0x1, s31;
	s0 =	rddreg [dreg:$0x6]  }
0xa4: {  	p0 =	sne.s32 s31, s0  }
.Ltmp1:
0xa5: {  	_ = 	snop;
	(pc) =	sbr.rel @p0 .LBB2_1-.Ltmp1, $1  }
0xa6: {  	_ =	sdelay $0x3  }
0xa7: {  	_ =	sfence.sel $0x180000  }
0xa8: {  	[bflag:$0x0] =	sbarrier.arrive $0xFFFF  }
0xa9: {  	_ =	strace $0x9000004A  }
0xaa: {  	s0 =	stileid.u32;
	[bflag:$0x2] =	sbarrier.arrive $0xFFFF  }
0xab: {  	p0 =	sne.s32 s0, $0x0;
	s0 =	rddreg [dreg:$0x1]  }
0xac: {  	s0 =	sadd.s32 @!p0 $0x100000, s0  }
0xad: {  	[sflag:s0] =	ssyncadd.tile.s32 @!p0 $0x1;
	_ =	shalt  }
.Lfunc_end2:
_tile_overlayer_lowered:
.L_overlay_start_2:
0xae: {  	(tag) =	ssettag $0x2  }
0xaf: {  	s0 =	rddreg [dreg:$0x0];
	s2 =	stileid.u32  }
0xb0: {  	s1 =	rddreg [dreg:$0x1];
	p0 =	sne.s32 s2, $0x0  }
0xb1: {  	s3 =	rddreg [dreg:$0x2];
	[bflag:$0x3] =	sbarrier.arrive $0xFFFF;
	s2 =	simm.s32 @!p0 $0x1C02  }
0xb2: {  	[timem:s3], [sflag:s2] =	dma.local @!p0 [hbm:s0], s1  }
0xb3: {  	s0 =	simm.s32 @!p0 $0x2  }
0xb4: {  	_ =	swait.ge @!p0 [sflag:s0], s1  }
0xb5: {  	s1 =	ssub.s32 @!p0 $0x0, s1;
	[sflag:s0] =	ssyncset.done @!p0 $0x0  }
0xb6: {  	[sflag:s0] =	ssyncadd.s32 @!p0 s1  }
0xb7: {  	[bflag:$0x3] =	sbarrier.arrive $0xFFFF  }
0xb8: {  	_ =	shalt  }

// kernel: kernel.7.cloned.1.call-start
scs
__scs_entry_jumppad:
0x0: {  	(pc) =	sbr.rel $0x88, $3  }
0x1: {  	(tag) =	ssettag $0x0;
	lr =	simm.s32 $0x1  }
0x2: {  	[smem:$0x3F93] =	sst lr;
	_ =	strace $0xD0000000  }
0x3: {  	_ = 	snop  }
0x4: {  	_ = 	snop  }
0x5: {  	_ = 	snop  }
0x6: {  	_ = 	snop  }
0x7: {  	_ = 	snop  }
__scs_overlays_trampoline_lowered:
0x8: {  	[smem:$0x3FA2] =	sst s0  }
0x9: {  	[smem:$0x3FA3] =	sst s1  }
0xa: {  	[smem:$0x3FA4] =	sst s2  }
0xb: {  	[smem:$0x3FA5] =	sst s3  }
0xc: {  	[smem:$0x3FA6] =	sst s4  }
0xd: {  	[smem:$0x3FA7] =	sst s5  }
0xe: {  	[smem:$0x3FA8] =	sst s6  }
0xf: {  	[smem:$0x3FA9] =	sst s7  }
0x10: {  	[smem:$0x3FAA] =	sst s8  }
0x11: {  	[smem:$0x3FAB] =	sst s9;
	s0 =	simm.s32 @!p0 $0x0  }
0x12: {  	s1 =	sld [smem:$0x3F91];
	s0 =	simm.s32 @p0 $0x1  }
0x13: {  	[smem:$0x3FAC] =	sst s0;
	s0 =	simm.s32 @!p1 $0x0  }
0x14: {  	s2 =	sld [smem:$0x3F90];
	s0 =	simm.s32 @p1 $0x1  }
0x15: {  	[smem:$0x3FAD] =	sst s0;
	s0 =	simm.s32 @!p2 $0x0  }
0x16: {  	s3 =	sld [smem:$0x3FDB];
	s0 =	simm.s32 @p2 $0x1  }
0x17: {  	s4 =	simm.s32 $0x1BF5;
	[smem:$0x3FAF] =	sst s0  }
0x18: {  	s0 =	sld [smem:$0x3F92];
	_ =	swait.ge [sflag:s4], $0x0  }
0x19: {  	s7 =	sld [smem:$0x3F93]  }
0x1a: {  	s8 =	sadd.s32 $0xFFFFE003, lr  }
0x1b: {  	s9 =	sadd.s32 $0xFFFFFEF7, lr;
	s5 =	simm.s32 $0xFFFFFFFF;
	p2 =	slt.u32 s8, $0xFFFFF086  }
0x1c: {  	p1 =	slt.u32 s9, $0xF7A;
	s5 =	simm.s32 @!p2 $0x0  }
0x1d: {  	s5 =	simm.s32 @p1 $0x1;
	p0 =	seq.s32 s7, s2  }
0x1e: {  	s7 =	smul.u32 @!p0 $0xF7A, s2;
	p2 =	seq.s32 @!p0 s5, $0x0  }
0x1f: {  	s9 =	smul.u32 $0xF7A, s1;
	s8 =	simm.s32 @!p0 $0x1BF5;
	p2 =	por !p2, p0  }
0x20: {  	[sflag:s8] =	ssyncset.s32 @!p0 $0xFFFFF086;
	s6 =	sadd.s32 @!p0 s3, s7;
	s7 =	simm.s32 @!p0 $0x108  }
0x21: {  	s3 =	sadd.s32 s3, s9;
	s6 =	sadd.s32 @!p0 $0x88, s6;
	s7 =	simm.s32 @p2 $0x1082  }
0x22: {  	[simem:s7], [sflag:s8] =	dma.local @!p0 [hbm:s6], $0xF7A  }
0x23: {  	s9 =	sor.u32 $0xD0000000, s2;
	s6 =	simm.s32 $0x108;
	_ =	swait.ge @!p0 [sflag:s8], $0x0  }
0x24: {  	s3 =	sadd.s32 $0x88, s3;
	s6 =	simm.s32 @!p1 $0x1082;
	[sflag:s4] =	ssyncset.s32 $0xFFFFF086  }
0x25: {  	[simem:s6], [sflag:s4] =	dma.local [hbm:s3], $0xF7A  }
0x26: {  	[smem:$0x3F93] =	sst s1;
	(tag) =	ssettag s2;
	_ =	strace s9  }
0x27: {  	s1 =	sld [smem:$0x3FA3]  }
0x28: {  	s2 =	sld [smem:$0x3FA4]  }
0x29: {  	s4 =	sld [smem:$0x3FA6]  }
0x2a: {  	p0 =	seq.s32 s5, $0x0;
	s5 =	sld [smem:$0x3FA7]  }
0x2b: {  	s6 =	sld [smem:$0x3FA8]  }
0x2c: {  	s7 =	sld [smem:$0x3FA9]  }
0x2d: {  	s3 =	simm.s32 $0x108;
	s8 =	sld [smem:$0x3FAA]  }
0x2e: {  	s3 =	simm.s32 @!p0 $0x1082;
	s9 =	sld [smem:$0x3FAB]  }
0x2f: {  	lr =	sadd.s32 s0, s3;
	s0 =	sld [smem:$0x3FA2]  }
0x30: {  	s3 =	sld [smem:$0x3FA5]  }
0x31: {  	[smem:$0x3FAE] =	sst s10  }
0x32: {  	s10 =	sld [smem:$0x3FAC];
	_ =	sdelay $0x3  }
0x33: {  	p0 =	seq.s32 s10, $0x1;
	s10 =	sld [smem:$0x3FAE];
	_ =	sdelay $0x3  }
0x34: {  	[smem:$0x3FAE] =	sst s10  }
0x35: {  	s10 =	sld [smem:$0x3FAD];
	_ =	sdelay $0x3  }
0x36: {  	p1 =	seq.s32 s10, $0x1;
	s10 =	sld [smem:$0x3FAE];
	_ =	sdelay $0x3  }
0x37: {  	[smem:$0x3FAE] =	sst s10  }
0x38: {  	s10 =	sld [smem:$0x3FAF]  }
0x39: {  	_ = 	snop;
	(pc) =	sbr.ind lr, $3  }
0x3a: {  	_ = 	snop  }
0x3b: {  	_ = 	snop  }
0x3c: {  	p2 =	seq.s32 s10, $0x1;
	s10 =	sld [smem:$0x3FAE]  }
0x3d: {  	_ =	shalt  }
0x3e: {  	_ =	shalt  }
0x3f: {  	_ =	shalt  }
0x40: {  	_ =	shalt  }
0x41: {  	_ =	shalt  }
0x42: {  	_ =	shalt  }
0x43: {  	_ =	shalt  }
0x44: {  	_ =	shalt  }
0x45: {  	_ =	shalt  }
0x46: {  	_ =	shalt  }
0x47: {  	_ =	shalt  }
0x48: {  	_ =	shalt  }
0x49: {  	_ =	shalt  }
0x4a: {  	_ =	shalt  }
0x4b: {  	_ =	shalt  }
0x4c: {  	_ =	shalt  }
0x4d: {  	_ =	shalt  }
0x4e: {  	_ =	shalt  }
0x4f: {  	_ =	shalt  }
0x50: {  	_ =	shalt  }
0x51: {  	_ =	shalt  }
0x52: {  	_ =	shalt  }
0x53: {  	_ =	shalt  }
0x54: {  	_ =	shalt  }
0x55: {  	_ =	shalt  }
0x56: {  	_ =	shalt  }
0x57: {  	_ =	shalt  }
0x58: {  	_ =	shalt  }
0x59: {  	_ =	shalt  }
0x5a: {  	_ =	shalt  }
0x5b: {  	_ =	shalt  }
0x5c: {  	_ =	shalt  }
0x5d: {  	_ =	shalt  }
0x5e: {  	_ =	shalt  }
0x5f: {  	_ =	shalt  }
0x60: {  	_ =	shalt  }
0x61: {  	_ =	shalt  }
0x62: {  	_ =	shalt  }
0x63: {  	_ =	shalt  }
0x64: {  	_ =	shalt  }
0x65: {  	_ =	shalt  }
0x66: {  	_ =	shalt  }
0x67: {  	_ =	shalt  }
0x68: {  	_ =	shalt  }
0x69: {  	_ =	shalt  }
0x6a: {  	_ =	shalt  }
0x6b: {  	_ =	shalt  }
0x6c: {  	_ =	shalt  }
0x6d: {  	_ =	shalt  }
0x6e: {  	_ =	shalt  }
0x6f: {  	_ =	shalt  }
0x70: {  	_ =	shalt  }
0x71: {  	_ =	shalt  }
0x72: {  	_ =	shalt  }
0x73: {  	_ =	shalt  }
0x74: {  	_ =	shalt  }
0x75: {  	_ =	shalt  }
0x76: {  	_ =	shalt  }
0x77: {  	_ =	shalt  }
0x78: {  	_ =	shalt  }
0x79: {  	_ =	shalt  }
0x7a: {  	_ =	shalt  }
0x7b: {  	_ =	shalt  }
0x7c: {  	_ =	shalt  }
0x7d: {  	_ =	shalt  }
0x7e: {  	_ =	shalt  }
0x7f: {  	_ =	shalt  }
0x80: {  	_ =	shalt  }
0x81: {  	_ =	shalt  }
0x82: {  	_ =	shalt  }
0x83: {  	_ =	shalt  }
0x84: {  	_ =	shalt  }
0x85: {  	_ =	shalt  }
0x86: {  	_ =	shalt  }
0x87: {  	_ =	shalt  }
.Lfunc_end0:
.L_simem_size_0:
called_computation.2_lowered:
.L_overlay_start_0:
0x88: {  	s2 =	sld [smem:$0x3FD9]  }
0x89: {  	s3 =	sld [smem:$0x3FFE];
	_ =	sdelay $0x1  }
0x8a: {  	s1 =	srdreg.scid  }
0x8b: {  	s0 =	sand.u32 $0x1, s1  }
0x8c: {  	s17 =	sshll.u32 s0, $0xA;
	s2 =	sadd.s32 s3, s2  }
0x8d: {  	s2 =	sadd.s32 s2, s17  }
0x8e: {  	[smem:$0x3FBA] =	sst s2  }
0x8f: {  	_ = 	snop  }
0x90: {  	s2 =	sld [smem:$0x3FC9];
	(tm) =	ssettm $0x1  }
0x91: {  	s18 =	sld [smem:$0x3FFB];
	_ =	sdelay $0x3  }
0x92: {  	_ =	strace s18  }
0x93: {  	s3 =	sld [smem:$0x3FFC];
	_ =	sdelay $0x3  }
0x94: {  	_ =	strace s3  }
0x95: {  	s3 =	sld [smem:$0x3FFD];
	_ =	sdelay $0x3  }
0x96: {  	_ =	strace s3  }
0x97: {  	_ =	strace $0x8FFFFFFF  }
0x98: {  	s19 =	sld [smem:$0x3FDB];
	_ =	sdelay $0x1  }
0x99: {  	s4 =	simm.s32 $_scs_section_size  }
0x9a: {  	s5 =	simm.s32 $_size__tile_overlayer_lowered;
	s6 =	simm.s32 $_tile_overlayer_lowered  }
0x9b: {  	s22 =	simm.s32 $0x1BFF;
	s21 =	sshll.u32 s6, $0x1;
	s3 =	sadd.s32 s4, s19  }
0x9c: {  	s7 =	simm.s32 $0x0;
	s20 =	sshll.u32 s5, $0x1;
	s5 =	sadd.s32 s21, s3  }
0x9d: {  	[timem:s7], [sflag:s22] =	dma.local [hbm:s5], s20  }
0x9e: {  	_ =	swait.ge [sflag:s22], s20  }
0x9f: {  	s4 =	ssub.s32 $0x0, s20;
	[sflag:s22] =	ssyncset.done $0x0  }
0xa0: {  	[sflag:s22] =	ssyncadd.s32 s4;
	_ =	sdelay $0x1  }
0xa1: {  	s23 =	simm.s32 $0x1B8B  }
0xa2: {  	_ =	swait.ge [sflag:s23], $0x1  }
0xa3: {  	[sflag:s23] =	ssyncset.done $0x0  }
0xa4: {  	s25 =	simm.s32 $0x1B8E;
	s24 =	sld [smem:$0x3FFE];
	[sflag:s23] =	ssyncadd.s32 $0xFFFFFFFF  }
0xa5: {  	s26 =	simm.s32 $execute0_lowered;
	[smem:$0x3FD2] =	sst s25  }
0xa6: {  	s5 =	sshll.u32 s26, $0x1;
	_ =	strace $0x80000046;
	[dreg:$0x1] =	wrdreg $0xFFFFFFFF  }
0xa7: {  	s28 =	simm.s32 $_size_execute0_lowered;
	s3 =	sadd.s32 s3, s5;
	[dreg:$0x0] =	wrdreg $0x0  }
0xa8: {  	s5 =	sshll.u32 s28, $0x1;
	[dreg:$0x2] =	wrdreg s3  }
0xa9: {  	[dreg:$0x3] =	wrdreg s5  }
0xaa: {  	[dreg:$0x4] =	wrdreg $0xC0  }
0xab: {  	_ =	task [dreg:s7], $0x5FFFF  }
0xac: {  	[dreg:$0x1] =	wrdreg $0xFFFFFFFF  }
0xad: {  	[dreg:$0x0] =	wrdreg $0x60  }
0xae: {  	[dreg:$0x2] =	wrdreg s2  }
0xaf: {  	[dreg:$0x3] =	wrdreg s24  }
0xb0: {  	[dreg:$0x4] =	wrdreg $0x9  }
0xb1: {  	_ =	task.clear_ibuf [dreg:s7], $0x5FFFF;
	_ =	strace $0x90000046  }
0xb2: {  	s29 =	simm.s32 $0x9;
	_ =	strace $0x80000048  }
0xb3: {  	_ =	swait.ge [sflag:s29], $0x1  }
0xb4: {  	[sflag:s29] =	ssyncadd.s32 $0xFFFFFFFF  }
0xb5: {  	_ =	strace $0x90000048  }
0xb6: {  	_ =	sfence  }
0xb7: {  	s30 =	sld [smem:$0x0];
	_ =	sdelay $0x2  }
0xb8: {  	s31 =	sshll.u32 s1, $0xD;
	s1 =	sshrl.u32 s1, $0x2  }
0xb9: {  	s3 =	sand.u32 $0x4000, s31;
	s1 =	sadd.s32 s1, s30  }
0xba: {  	s0 =	sor.u32 s3, s0;
	s1 =	sshll.u32 s1, $0x11  }
0xbb: {  	s0 =	sor.u32 s1, s0  }
0xbc: {  	s0 =	sadd.s32 $0x8F2B, s0  }
0xbd: {  	[sflag:s0] =	ssyncadd.remote.s32 $0x1  }
0xbe: {  	_ =	sfence.sel $0xFFFF  }
0xbf: {  	[dreg:$0x0] =	wrdreg $0xFFFFFFFF;
	(pc) =	sbr.abs _section_cstart, $3  }
0xc0: {  	[dreg:$0x1] =	wrdreg $0xFFFFFFFF  }
0xc1: {  	_ =	task.clear_ibuf [dreg:s7], $0x2FFFF;
	_ =	strace $0x9FFFFFFF  }
0xc2: {  	(tm) =	ssettm $0x7FFFFFFF  }
0xc3: {  	_ =	shalt  }
tec
execute0_lowered:
.L_overlay_start_1:
0x0: {  	(tag) =	ssettag $0x1  }
0x1: {  	s2 =	rddreg [dreg:$0x0];
	s1 =	srdreg.scid  }
0x2: {  	s0 =	stileid.u32;
	s4 =	rddreg [dreg:$0x1];
	s3 =	simm.s32 $0x0  }
0x3: {  	s10 =	simm.s32 $0x1;
	s11 =	simm.s32 $0x0;
	s6 =	smul.u32 $0xC350, s0  }
0x4: {  	s5 =	sand.u32 $0x1, s1;
	s1 =	rddreg [dreg:$0x2];
	s8 =	smul.u32 $0xC3500, s0  }
0x5: {  	[smem:$0x7FF] =	sst s3;
	s7 =	smul.u32 $0x61A8, s5;
	s9 =	ssub.s32 $0x2, s5  }
0x6: {  	_ =	strace $0x80000047;
	s5 =	smul.u32 $0x61A80, s5;
	s31 =	sshrl.u32 s9, $0x1  }
0x7: {  	s30 =	sadd.s32 s8, s4;
	s6 =	sadd.s32 s7, s6;
	s8 =	ssub.s32 s9, s31  }
0x8: {  	s5 =	sadd.s32 s5, s30;
	s7 =	simm.s32 $0x2;
	s6 =	sshrl.u32 s6, $0x3  }
0x9: {  	s9 =	simm.s32 $0x100;
	s5 =	sadd.s32 $0x1DC00, s5;
	s6 =	sadd.s32 s6, s4  }
0xa: {  	s4 =	smax.u32 s8, $0x1;
	s8 =	simm.s32 $0xC8;
	s6 =	sadd.s32 $0x5400, s6  }
.LBB2_1:
0xb: {  	s12 =	sadd.s32 $0x0, s6  }
0xc: {  	[tilespmem:s3], [sflag:$0x2] =	stream.linear.gather [hbm4b:s12+s3], $0xC8, $0x38;
	[tilespmem:$0x6500] =	vst v63  }
0xd: {  	_ =	swait.ge [sflag:s7], $0xC8  }
0xe: {  	[sflag:s7] =	ssyncset.done $0x0  }
0xf: {  	[sflag:s7] =	ssyncadd.s32 $0xFFFFFF38  }
0x10: {  	[tilespmem:s9], [sflag:$0x1] =	stream.indirect.gather [hbm4b:s2+s8], $0x80, s3, s8, $0xb8;
	[tilespmem:$0x6500] =	vst v63  }
0x11: {  	_ =	swait.ge [sflag:s10], $0x6400  }
0x12: {  	[sflag:s10] =	ssyncset.done $0x0  }
0x13: {  	[sflag:s10] =	ssyncadd.s32 $0xFFFF9C00  }
0x14: {  	[hbm4b:s5+s3] =	stream.linear.scatter [tilespmem:s9], [sflag:$0x2], $0x6400, $0x38;
	[tilespmem:$0x6500] =	vst v63  }
0x15: {  	s13 =	simm.s32 $0x19;
	_ =	swait.ge [sflag:s7], $0x6400  }
0x16: {  	s14 =	simm.s32 $0x32;
	s12 =	sadd.s32 $0xC80, s5;
	[sflag:s7] =	ssyncset.done $0x0  }
.LBB2_2:
0x17: {  	s15 =	sadd.s32 s13, s6  }
0x18: {  	[sflag:s7] =	ssyncadd.s32 $0xFFFF9C00;
	s13 =	smov.u32 s14;
	s16 =	sadd.s32 $0x19, s14  }
0x19: {  	[tilespmem:s3], [sflag:$0x2] =	stream.linear.gather [hbm4b:s15+s3], $0xC8, $0x38;
	[tilespmem:$0x6500] =	vst v63  }
0x1a: {  	p0 =	sne.s32 s14, $0xC1C;
	_ =	swait.ge [sflag:s7], $0xC8  }
0x1b: {  	[sflag:s7] =	ssyncset.done $0x0  }
0x1c: {  	[sflag:s7] =	ssyncadd.s32 $0xFFFFFF38  }
0x1d: {  	[tilespmem:s9], [sflag:$0x1] =	stream.indirect.gather [hbm4b:s2+s8], $0x80, s3, s8, $0xb8;
	[tilespmem:$0x6500] =	vst v63  }
0x1e: {  	_ =	swait.ge [sflag:s10], $0x6400  }
.Ltmp0:
0x1f: {  	[sflag:s10] =	ssyncset.done $0x0;
	(pc) =	sbr.rel @p0 .LBB2_2-.Ltmp0, $4  }
0x20: {  	[sflag:s10] =	ssyncadd.s32 $0xFFFF9C00  }
0x21: {  	[hbm4b:s12+s3] =	stream.linear.scatter [tilespmem:s9], [sflag:$0x2], $0x6400, $0x38;
	[tilespmem:$0x6500] =	vst v63  }
0x22: {  	_ =	swait.ge [sflag:s7], $0x6400  }
0x23: {  	s14 =	smov.u32 s16;
	s12 =	sadd.s32 $0xC80, s12;
	[sflag:s7] =	ssyncset.done $0x0  }
0x24: {  	s13 =	sadd.s32 s13, s6;
	[sflag:s7] =	ssyncadd.s32 $0xFFFF9C00  }
0x25: {  	[tilespmem:s3], [sflag:$0x2] =	stream.linear.gather [hbm4b:s13+s3], $0xC8, $0x38;
	[tilespmem:$0x6500] =	vst v63  }
0x26: {  	_ =	swait.ge [sflag:s7], $0xC8  }
0x27: {  	[sflag:s7] =	ssyncset.done $0x0  }
0x28: {  	[sflag:s7] =	ssyncadd.s32 $0xFFFFFF38  }
0x29: {  	[tilespmem:s9], [sflag:$0x1] =	stream.indirect.gather [hbm4b:s2+s8], $0x80, s3, s8, $0xb8;
	[tilespmem:$0x6500] =	vst v63  }
0x2a: {  	s11 =	sadd.s32 $0x1, s11;
	_ =	swait.ge [sflag:s10], $0x6400  }
0x2b: {  	p0 =	sne.s32 s11, s4;
	[sflag:s10] =	ssyncset.done $0x0  }
.Ltmp1:
0x2c: {  	[sflag:s10] =	ssyncadd.s32 $0xFFFF9C00;
	(pc) =	sbr.rel @p0 .LBB2_1-.Ltmp1, $4  }
0x2d: {  	[hbm4b:s12+s3] =	stream.linear.scatter [tilespmem:s9], [sflag:$0x2], $0x6400, $0x38;
	[tilespmem:$0x6500] =	vst v63  }
0x2e: {  	_ =	swait.ge [sflag:s7], $0x6400  }
0x2f: {  	[sflag:s7] =	ssyncset.done $0x0  }
0x30: {  	[sflag:s7] =	ssyncadd.s32 $0xFFFF9C00  }
0x31: {  	_ =	sfence.sel $0x180000  }
0x32: {  	[bflag:$0x0] =	sbarrier.arrive $0xFFFF  }
0x33: {  	p0 =	sne.s32 s0, $0x0;
	_ =	strace $0x90000047  }
0x34: {  	s0 =	sadd.s32 @!p0 $0x100000, s1;
	[bflag:$0x2] =	sbarrier.arrive $0xFFFF  }
0x35: {  	[sflag:s0] =	ssyncadd.tile.s32 @!p0 $0x1;
	_ =	shalt  }
.Lfunc_end2:
_tile_overlayer_lowered:
.L_overlay_start_2:
0x36: {  	(tag) =	ssettag $0x2  }
0x37: {  	s0 =	rddreg [dreg:$0x0];
	s2 =	stileid.u32  }
0x38: {  	s1 =	rddreg [dreg:$0x1];
	p0 =	sne.s32 s2, $0x0  }
0x39: {  	s3 =	rddreg [dreg:$0x2];
	[bflag:$0x3] =	sbarrier.arrive $0xFFFF;
	s2 =	simm.s32 @!p0 $0x1C02  }
0x3a: {  	[timem:s3], [sflag:s2] =	dma.local @!p0 [hbm:s0], s1  }
0x3b: {  	s0 =	simm.s32 @!p0 $0x2  }
0x3c: {  	_ =	swait.ge @!p0 [sflag:s0], s1  }
0x3d: {  	s1 =	ssub.s32 @!p0 $0x0, s1;
	[sflag:s0] =	ssyncset.done @!p0 $0x0  }
0x3e: {  	[sflag:s0] =	ssyncadd.s32 @!p0 s1  }
0x3f: {  	[bflag:$0x3] =	sbarrier.arrive $0xFFFF  }
0x40: {  	_ =	shalt  }

</sc_bundles>
